<compile_context>
chip_gen: v7x
topology: tpu7x:2x2x1
jax: 0.10.2.dev20260603
libtpu: 0.0.44.dev20260713+nightly
codegen_flags: <defaults>
</compile_context>

<pallas_src>
import functools

import jax
import jax.numpy as jnp
from jax import lax
from jax.experimental import pallas as pl
from jax.experimental.pallas import tpu as pltpu
from jax.experimental.pallas import tpu_sc as plsc

_N = 10000
_M = 10000
_B = 50
_NG = 200
_MG = 200
_NNZ = 320000
_D = 128
_K = 30
_HALF = (_M * _NG) // 2
_PER_TILE = _NNZ // 16
_FULL_CHUNKS = _PER_TILE // 128
_TAIL = _PER_TILE - _FULL_CHUNKS * 128
_ZB = 10000
_CPT = _HALF // 10

@functools.cache
def _get_build_h():
    mesh = plsc.VectorSubcoreMesh(core_axis_name="c", subcore_axis_name="s")
    return functools.partial(
        pl.kernel,
        out_type=jax.ShapeDtypeStruct((_M * _NG,), jnp.float32),
        mesh=mesh,
        scratch_types=[
            pltpu.VMEM((128,), jnp.int32),
            pltpu.VMEM((128,), jnp.int32),
            pltpu.VMEM((128,), jnp.int32),
            pltpu.VMEM((128,), jnp.float32),
            pltpu.VMEM((_ZB,), jnp.float32),
            pltpu.VMEM_SHARED((_HALF + 2048,), jnp.float32),
            pltpu.SemaphoreType.DMA,
            pltpu.SemaphoreType.DMA,
            pltpu.SemaphoreType.DMA,
        ],
    )(_build_h_body)


def _build_h_body(e_hbm, n_hbm, v_hbm, out_hbm, ebuf, nbuf, idxbuf, vbuf, zbuf,
                  acc, sem_e, sem_n, sem_v):
    cid = lax.axis_index("c")
    sid = lax.axis_index("s")
    lo = cid * _HALF

    @pl.when(sid < 10)
    def _zero():
        def zvec(i, carry):
            zbuf[pl.ds(i * 16, 16)] = jnp.zeros((16,), jnp.float32)
            return carry
        lax.fori_loop(0, _ZB // 16, zvec, 0)

        def zcopy(j, carry):
            pltpu.sync_copy(zbuf, acc.at[pl.ds(sid * _CPT + j * _ZB, _ZB)])
            return carry
        lax.fori_loop(0, _CPT // _ZB, zcopy, 0)

    plsc.subcore_barrier()

    base = sid * _PER_TILE

    def do_vec(vi, carry):
        ev = ebuf[pl.ds(vi * 16, 16)]
        nv = nbuf[pl.ds(vi * 16, 16)]
        flat = ev * _NG + lax.rem(nv, _NG)
        loc = flat - lo
        ok = (loc >= 0) & (loc < _HALF)
        idxbuf[pl.ds(vi * 16, 16)] = jnp.where(ok, loc, _HALF + (flat & 2047))
        return carry

    def chunk(ci, carry):
        off = base + ci * 128
        w1 = pltpu.async_copy(e_hbm.at[pl.ds(off, 128)], ebuf, sem_e)
        w2 = pltpu.async_copy(n_hbm.at[pl.ds(off, 128)], nbuf, sem_n)
        w3 = pltpu.async_copy(v_hbm.at[pl.ds(off, 128)], vbuf, sem_v)
        w1.wait()
        w2.wait()
        w3.wait()
        lax.fori_loop(0, 8, do_vec, 0)
        pltpu.sync_copy(vbuf, acc.at[idxbuf], add=True)
        return carry

    lax.fori_loop(0, _FULL_CHUNKS, chunk, 0)

    toff = base + _FULL_CHUNKS * 128
    pltpu.sync_copy(e_hbm.at[pl.ds(toff, _TAIL)], ebuf.at[pl.ds(0, _TAIL)])
    pltpu.sync_copy(n_hbm.at[pl.ds(toff, _TAIL)], nbuf.at[pl.ds(0, _TAIL)])
    pltpu.sync_copy(v_hbm.at[pl.ds(toff, _TAIL)], vbuf.at[pl.ds(0, _TAIL)])
    for vi in range(_TAIL // 16):
        do_vec(vi, 0)
    lane = lax.iota(jnp.int32, 16)
    for vi in range(_TAIL // 16, 8):
        idxbuf[pl.ds(vi * 16, 16)] = _HALF + ((vi * 16 + lane) & 2047)
    pltpu.sync_copy(vbuf, acc.at[idxbuf], add=True)

    plsc.subcore_barrier()

    @pl.when(sid < 10)
    def _copy_out():
        def ccopy(j, carry):
            off = sid * _CPT + j * _ZB
            pltpu.sync_copy(acc.at[pl.ds(off, _ZB)], zbuf)
            pltpu.sync_copy(zbuf, out_hbm.at[pl.ds(lo + off, _ZB)])
            return carry
        lax.fori_loop(0, _CPT // _ZB, ccopy, 0)


def _mm(a, b, prec=lax.Precision.HIGHEST):
    return lax.dot_general(a, b, (((1,), (0,)), ((), ())), precision=prec,
                           preferred_element_type=jnp.float32)


def _mm3(a, b, dims):
    ah = a.astype(jnp.bfloat16).astype(jnp.float32)
    al = a - ah
    bh = b.astype(jnp.bfloat16).astype(jnp.float32)
    bl = b - bh

    def d(x, y):
        return lax.dot_general(x, y, (dims, ((), ())),
                               preferred_element_type=jnp.float32)
    return d(ah, bh) + d(ah, bl) + d(al, bh)


def _mmT(a, b, prec=lax.Precision.HIGHEST):
    return lax.dot_general(a, b, (((0,), (0,)), ((), ())), precision=prec,
                           preferred_element_type=jnp.float32)


def _tc_body(h_ref, nf_ref, nd_ref,
             wn0, wn1, wn2, wn3, bn0, bn1, bn2, bn3,
             we0, we1, we2, we3, be0, be1, be2, be3,
             w1t, b1r, w2r, b2r, wvr, boutr, out_ref):
    H = h_ref[0]
    cur = nf_ref[0]
    ndeg = nd_ref[0]
    Wn = (wn0[...], wn1[...], wn2[...], wn3[...])
    Bn = (bn0[...], bn1[...], bn2[...], bn3[...])
    We = (we0[...], we1[...], we2[...], we3[...])
    Be = (be0[...], be1[...], be2[...], be3[...])

    hi = lax.Precision.HIGHEST
    cats = []
    for lv in range(4):
        P = _mm(cur, Wn[lv], hi)
        n2e = _mm3(H, P, ((1,), (0,)))
        msg = jnp.tanh(n2e + Bn[lv])
        if lv < 3:
            Q = _mm(msg, We[lv], hi)
        else:
            Q = msg * We[lv][0, 0]
        e2n = _mm3(H, Q, ((0,), (0,)))
        cur = jnp.tanh((e2n + Be[lv]) / ndeg)
        cats.append(cur)

    v = cats[3]
    ii = lax.broadcasted_iota(jnp.int32, (_NG, _NG), 0)
    jj = lax.broadcasted_iota(jnp.int32, (_NG, _NG), 1)
    eye = (ii == jj).astype(jnp.float32)
    vrow = _mmT(v, eye)
    before = (vrow > v) | ((vrow == v) & (jj < ii))
    r = jnp.sum(before.astype(jnp.float32), axis=1, keepdims=True)
    ks = lax.broadcasted_iota(jnp.int32, (_NG, _K), 1).astype(jnp.float32)
    O = (r == ks).astype(jnp.float32)

    W1T = w1t[...]
    y1 = (_mm(_mmT(O, cats[0]), W1T[0:32])
          + _mm(_mmT(O, cats[1]), W1T[32:64])
          + _mm(_mmT(O, cats[2]), W1T[64:96])
          + _mmT(O, cats[3]) * W1T[96:97]
          + b1r[...])
    y1 = jnp.maximum(y1, 0.0)

    ri = lax.broadcasted_iota(jnp.int32, (_K // 2, _K), 0)
    ci = lax.broadcasted_iota(jnp.int32, (_K // 2, _K), 1)
    ev = (ci == 2 * ri).astype(jnp.float32)
    od = (ci == 2 * ri + 1).astype(jnp.float32)
    y1p = jnp.maximum(_mm(ev, y1), _mm(od, y1))

    W2r = w2r[...]
    acc = jnp.zeros((11, 32), jnp.float32) + b2r[...]
    for t in range(5):
        acc = acc + _mm(lax.slice(y1p, (t, 0), (t + 11, 16)), W2r[t])
    y2 = jnp.maximum(acc, 0.0)

    Wv = wvr[...]
    o = jnp.zeros((1, 128), jnp.float32) + boutr[...]
    for h in range(11):
        o = o + _mm(lax.slice(y2, (h, 0), (h + 1, 32)),
                    lax.slice(Wv, (h * 32, 0), (h * 32 + 32, 128)))
    out_ref[0] = jnp.maximum(o, 0.0)


def _tc_forward(Hg, nf, nd, Wn, bn, We, be, W1T, b1r, W2r, b2r, Wv, boutr,
                interpret=False):
    def full(x):
        return pl.BlockSpec(x.shape, lambda i: (0,) * x.ndim)

    weights = (*Wn, *bn, *We, *be, W1T, b1r, W2r, b2r, Wv, boutr)
    return pl.pallas_call(
        _tc_body,
        grid=(_B,),
        in_specs=[
            pl.BlockSpec((1, _MG, _NG), lambda i: (i, 0, 0)),
            pl.BlockSpec((1, _NG, _D), lambda i: (i, 0, 0)),
            pl.BlockSpec((1, _NG, 1), lambda i: (i, 0, 0)),
            *[full(w) for w in weights],
        ],
        out_specs=pl.BlockSpec((1, 1, 128), lambda i: (i, 0, 0)),
        out_shape=jax.ShapeDtypeStruct((_B, 1, 128), jnp.float32),
        interpret=interpret,
    )(Hg, nf, nd, *weights).reshape(_B, 128)


def kernel(node_feat, edge_index, inc_vals, node_degs, edge_degs,
           Wn, bn, We, be, W1, b1, W2, b2, Wout, bout):
    e_ids = edge_index[0].astype(jnp.int32)
    n_ids = edge_index[1].astype(jnp.int32)

    hflat = _get_build_h()(e_ids, n_ids, inc_vals.astype(jnp.float32))
    Hg = hflat.reshape(_B, _MG, _NG)

    nf = node_feat.reshape(_B, _NG, _D)
    nd = node_degs.reshape(_B, _NG, 1)
    W1T = W1.T
    W2r = jnp.transpose(W2, (2, 1, 0))
    Wv = jnp.transpose(Wout.reshape(32, 11, 128), (1, 0, 2)).reshape(352, 128)
    bn2 = tuple(b.reshape(1, -1) for b in bn)
    be2 = tuple(b.reshape(1, -1) for b in be)
    return _tc_forward(Hg, nf, nd, Wn, bn2, We, be2,
                       W1T, b1.reshape(1, -1), W2r, b2.reshape(1, -1),
                       Wv, bout.reshape(1, -1))

# --- scband reference (transcript-rebuilt; emitter-appended) ---
"""Pipeline reference for scband-dgcnn-57277683859500 (READ-ONLY COPY).

The authoritative reference and input builder live on the scoring server;
editing this copy changes nothing except your own understanding.
"""

import jax, jax.numpy as jnp
import numpy as np

N = 10000      # total nodes
M = 10000      # total hyperedges
B = 50         # graphs in batch
NG = N // B    # nodes per graph (200)
MG = M // B    # hyperedges per graph (200)
NNZ = 320000   # incidence nonzeros
D = 128        # num_node_feats
LATENT = [32, 32, 32, 1]
TOT = sum(LATENT)   # 97 = total_latent_dim = conv1d_kws[0]
K = 30              # sortpool k
C1, C2, KW2 = 16, 32, 5
OUT = 128


def _glorot(key, shape):
    fan_in, fan_out = shape[0], shape[1]
    lim = np.sqrt(6.0 / (fan_in + fan_out))
    return jax.random.uniform(key, shape, jnp.float32, -lim, lim)


def setup_inputs(seed: int = 0) -> dict:
    key = jax.random.key(seed)
    ks = jax.random.split(key, 32)
    node_feat = jax.random.normal(ks[0], (N, D), jnp.float32)
    # block-diagonal hypergraph incidence: each nnz stays inside its graph block
    g = jax.random.randint(ks[1], (NNZ,), 0, B)
    le = jax.random.randint(ks[2], (NNZ,), 0, MG)
    ln = jax.random.randint(ks[3], (NNZ,), 0, NG)
    edge_index = jnp.stack([g * MG + le, g * NG + ln])  # [2, NNZ]: (hyperedge_id, node_id)
    inc_vals = jnp.ones((NNZ,), jnp.float32)
    node_degs = jnp.maximum(jax.ops.segment_sum(inc_vals, edge_index[1], num_segments=N), 1.0)[:, None]
    edge_degs = jnp.maximum(jax.ops.segment_sum(inc_vals, edge_index[0], num_segments=M), 1.0)[:, None]
    # parameters (glorot-uniform like the torch weights_init)
    dims_n2e = [(D, LATENT[0]), (LATENT[0], LATENT[1]), (LATENT[1], LATENT[2]), (LATENT[2], LATENT[3])]
    dims_e2n = [(LATENT[0], LATENT[0]), (LATENT[1], LATENT[1]), (LATENT[2], LATENT[2]), (LATENT[3], LATENT[3])]
    Wn = tuple(_glorot(ks[4 + i], dims_n2e[i]) for i in range(4))
    bn = tuple(jnp.zeros((dims_n2e[i][1],), jnp.float32) for i in range(4))
    We = tuple(_glorot(ks[8 + i], dims_e2n[i]) for i in range(4))
    be = tuple(jnp.zeros((dims_e2n[i][1],), jnp.float32) for i in range(4))
    W1 = _glorot(ks[12], (C1, TOT))            # conv1d_params1 (in_ch=1, kernel=stride=97)
    b1 = jnp.zeros((C1,), jnp.float32)
    W2 = _glorot(ks[13], (C2, C1 * KW2)).reshape(C2, C1, KW2)  # conv1d_params2
    b2 = jnp.zeros((C2,), jnp.float32)
    dense_dim = ((K - 2) // 2 + 1 - KW2 + 1) * C2   # 352
    Wout = _glorot(ks[14], (dense_dim, OUT))
    bout = jnp.zeros((OUT,), jnp.float32)
    return {"node_feat": node_feat, "edge_index": edge_index, "inc_vals": inc_vals,
            "node_degs": node_degs, "edge_degs": edge_degs,
            "Wn": Wn, "bn": bn, "We": We, "be": be,
            "W1": W1, "b1": b1, "W2": W2, "b2": b2, "Wout": Wout, "bout": bout}


def reference(node_feat, edge_index, inc_vals, node_degs, edge_degs,
              Wn, bn, We, be, W1, b1, W2, b2, Wout, bout):
    e_ids, n_ids = edge_index[0], edge_index[1]
    cur = node_feat
    cats = []
    for lv in range(len(LATENT)):
        # n2epool = H @ cur  (sparse spmm -> gather + segment scatter-add)
        n2e = jax.ops.segment_sum(inc_vals[:, None] * cur[n_ids], e_ids, num_segments=M)
        edge_message = jnp.tanh(n2e @ Wn[lv] + bn[lv])      # combine='sum': no div by edge_degs
        # e2npool = H^T @ edge_message
        e2n = jax.ops.segment_sum(inc_vals[:, None] * edge_message[e_ids], n_ids, num_segments=N)
        cur = jnp.tanh((e2n @ We[lv] + be[lv]) / node_degs)
        cats.append(cur)
    x = jnp.concatenate(cats, axis=1)          # [N, 97]
    # sortpooling: all graphs have NG >= K nodes, equal sizes
    xg = x.reshape(B, NG, TOT)
    sort_channel = xg[:, :, -1]
    _, topk_idx = jax.lax.top_k(sort_channel, K)            # [B, K]
    pooled = jnp.take_along_axis(xg, topk_idx[:, :, None], axis=1)  # [B, K, 97]
    # conv1d_params1: kernel=stride=97 over flattened [B,1,K*97] == per-row matmul
    y1 = jnp.einsum('bkf,cf->bck', pooled, W1) + b1[None, :, None]  # [B, 16, 30]
    y1 = jax.nn.relu(y1)
    y1 = y1.reshape(B, C1, K // 2, 2).max(axis=3)                   # maxpool1d(2,2) -> [B,16,15]
    y2 = jax.lax.conv_general_dilated(y1, W2, (1,), 'VALID',
                                      dimension_numbers=('NCH', 'OIH', 'NCH')) + b2[None, :, None]
    y2 = jax.nn.relu(y2)                                            # [B, 32, 11]
    dense = y2.reshape(B, -1)                                       # [B, 352]
    out = jax.nn.relu(dense @ Wout + bout)
    return jax.nn.relu(out)

if __name__ == "__main__":
    import jax
    _d = setup_inputs()
    print(jax.jit(kernel)(*tuple(_d.values())))

</pallas_src>

<mosaic_0001>
#map = affine_map<(d0, d1) -> (0)>
module attributes {stable_mosaic.version = 14 : i64} {
  func.func @_build_h_body(%arg0: i32, %arg1: i32, %arg2: memref<320000xi32, #tpu.memory_space<hbm>>, %arg3: memref<320000xi32, #tpu.memory_space<hbm>>, %arg4: memref<320000xf32, #tpu.memory_space<hbm>>, %arg5: memref<2000000xf32, #tpu.memory_space<hbm>>, %arg6: memref<128xi32, #tpu.memory_space<vmem>>, %arg7: memref<128xi32, #tpu.memory_space<vmem>>, %arg8: memref<128xi32, #tpu.memory_space<vmem>>, %arg9: memref<128xf32, #tpu.memory_space<vmem>>, %arg10: memref<10000xf32, #tpu.memory_space<vmem>>, %arg11: memref<1002048xf32, #tpu.memory_space<vmem_shared>>, %arg12: memref<!tpu.dma_semaphore, #tpu.memory_space<semaphore_mem>>, %arg13: memref<!tpu.dma_semaphore, #tpu.memory_space<semaphore_mem>>, %arg14: memref<!tpu.dma_semaphore, #tpu.memory_space<semaphore_mem>>) attributes {dimension_semantics = [#tpu.dimension_semantics<core_parallel>, #tpu.dimension_semantics<subcore_parallel>], iteration_bounds = array<i64: 2, 16>, scalar_prefetch = 0 : i64, scratch_operands = 9 : i64, tpu.core_type = #tpu.core_type<sc_vector_subcore>, window_params = [{transform_indices = #map}, {transform_indices = #map}, {transform_indices = #map}, {transform_indices = #map}]} {
    %mul3A = arith.constant 1000000 : i32
    %mul3A_0 = arith.muli %arg0, %mul3A : i32
    %lt3A = arith.constant 10 : i32
    %lt3A_1 = arith.cmpi slt, %arg1, %lt3A : i32
    %convert_element_type3A = arith.extui %lt3A_1 : i1 to i32
    %cond3A = arith.constant 0 : i32
    %cond3A_2 = arith.cmpi ne, %convert_element_type3A, %cond3A : i32
    scf.if %cond3A_2 {
      %scan3A_154 = arith.constant 0 : i32
      %scan3A_155 = arith.constant 0 : i32
      %scan3A_156 = arith.constant 625 : i32
      %scan3A_157 = arith.addi %scan3A_155, %scan3A_156 : i32
      %scan3A_158 = arith.constant 1 : i32
      scf.for %scan3A_166 = %scan3A_155 to %scan3A_157 step %scan3A_158  : i32 {
        %broadcast_in_dim3A = arith.constant 0.000000e+00 : f32
        %broadcast_in_dim3A_167 = vector.broadcast %broadcast_in_dim3A : f32 to vector<16xf32>
        %mul3A_168 = arith.constant 16 : i32
        %mul3A_169 = arith.muli %scan3A_166, %mul3A_168 : i32
        %swap3A_170 = arith.index_cast %mul3A_169 : i32 to index
        %swap3A_171 = tpu.vector_load %arg10[%swap3A_170] {strides = array<i32>} : memref<10000xf32, #tpu.memory_space<vmem>>, vector<16xf32>,
        %swap3A_172 = vector.shape_cast %swap3A_171 : vector<16xf32> to vector<16xf32>
        %swap3A_173 = vector.shape_cast %broadcast_in_dim3A_167 : vector<16xf32> to vector<16xf32>
        tpu.vector_store %arg10[%swap3A_170], %swap3A_173 {strides = array<i32>} : memref<10000xf32, #tpu.memory_space<vmem>>, vector<16xf32>,
      }
      %scan3A_159 = arith.constant 625 : i32
      %scan3A_160 = arith.constant 0 : i32
      %scan3A_161 = arith.constant 0 : i32
      %scan3A_162 = arith.constant 10 : i32
      %scan3A_163 = arith.addi %scan3A_161, %scan3A_162 : i32
      %scan3A_164 = arith.constant 1 : i32
      scf.for %scan3A_166 = %scan3A_161 to %scan3A_163 step %scan3A_164  : i32 {
        %mul3A_167 = arith.constant 100000 : i32
        %mul3A_168 = arith.muli %arg1, %mul3A_167 : i32
        %mul3A_169 = arith.constant 10000 : i32
        %mul3A_170 = arith.muli %scan3A_166, %mul3A_169 : i32
        %add3A_171 = arith.addi %mul3A_168, %mul3A_170 : i32
        "tpu.region"() ({
          %run_scoped3A = tpu.sem_alloc : memref<!tpu.dma_semaphore, #tpu.memory_space<semaphore_mem>>
          %dma_start3A = tpu.memref_slice %arg11[%add3A_171] : memref<1002048xf32, #tpu.memory_space<vmem_shared>> -> memref<10000xf32, #tpu.memory_space<vmem_shared>>
          %dma_start3A_172 = tpu.memref_slice %arg11[%add3A_171] : memref<1002048xf32, #tpu.memory_space<vmem_shared>> -> memref<10000xf32, #tpu.memory_space<vmem_shared>>
          tpu.enqueue_dma source(%arg10 : memref<10000xf32, #tpu.memory_space<vmem>>) target(%dma_start3A_172 : memref<10000xf32, #tpu.memory_space<vmem_shared>>) target_semaphore(%run_scoped3A : memref<!tpu.dma_semaphore, #tpu.memory_space<semaphore_mem>>)
          %dma_wait3A = tpu.memref_slice %arg11[%add3A_171] : memref<1002048xf32, #tpu.memory_space<vmem_shared>> -> memref<10000xf32, #tpu.memory_space<vmem_shared>>
          %dma_wait3A_173 = tpu.memref_slice %arg11[%add3A_171] : memref<1002048xf32, #tpu.memory_space<vmem_shared>> -> memref<10000xf32, #tpu.memory_space<vmem_shared>>
          tpu.wait_dma2 semaphore(%run_scoped3A : memref<!tpu.dma_semaphore, #tpu.memory_space<semaphore_mem>>) src(%arg10 : memref<10000xf32, #tpu.memory_space<vmem>>) dst(%dma_wait3A_173 : memref<10000xf32, #tpu.memory_space<vmem_shared>>)
          tpu.yield
        }) : () -> ()
      }
      %scan3A_165 = arith.constant 10 : i32
    } else {
    }
    %barrier3A = arith.constant 0 : index
    tpu.barrier barrier_id(%barrier3A)
    %mul3A_3 = arith.constant 20000 : i32
    %mul3A_4 = arith.muli %arg1, %mul3A_3 : i32
    %scan3A = arith.constant 0 : i32
    %scan3A_5 = arith.constant 0 : i32
    %scan3A_6 = arith.constant 156 : i32
    %scan3A_7 = arith.addi %scan3A_5, %scan3A_6 : i32
    %scan3A_8 = arith.constant 1 : i32
    scf.for %scan3A_154 = %scan3A_5 to %scan3A_7 step %scan3A_8  : i32 {
      %mul3A_155 = arith.constant 128 : i32
      %mul3A_156 = arith.muli %scan3A_154, %mul3A_155 : i32
      %add3A_157 = arith.addi %mul3A_4, %mul3A_156 : i32
      %dma_start3A = tpu.memref_slice %arg2[%add3A_157] : memref<320000xi32, #tpu.memory_space<hbm>> -> memref<128xi32, #tpu.memory_space<hbm>>
      %dma_start3A_158 = tpu.memref_slice %arg2[%add3A_157] : memref<320000xi32, #tpu.memory_space<hbm>> -> memref<128xi32, #tpu.memory_space<hbm>>
      tpu.enqueue_dma source(%dma_start3A_158 : memref<128xi32, #tpu.memory_space<hbm>>) target(%arg6 : memref<128xi32, #tpu.memory_space<vmem>>) target_semaphore(%arg12 : memref<!tpu.dma_semaphore, #tpu.memory_space<semaphore_mem>>)
      %dma_start3A_159 = tpu.memref_slice %arg3[%add3A_157] : memref<320000xi32, #tpu.memory_space<hbm>> -> memref<128xi32, #tpu.memory_space<hbm>>
      %dma_start3A_160 = tpu.memref_slice %arg3[%add3A_157] : memref<320000xi32, #tpu.memory_space<hbm>> -> memref<128xi32, #tpu.memory_space<hbm>>
      tpu.enqueue_dma source(%dma_start3A_160 : memref<128xi32, #tpu.memory_space<hbm>>) target(%arg7 : memref<128xi32, #tpu.memory_space<vmem>>) target_semaphore(%arg13 : memref<!tpu.dma_semaphore, #tpu.memory_space<semaphore_mem>>)
      %dma_start3A_161 = tpu.memref_slice %arg4[%add3A_157] : memref<320000xf32, #tpu.memory_space<hbm>> -> memref<128xf32, #tpu.memory_space<hbm>>
      %dma_start3A_162 = tpu.memref_slice %arg4[%add3A_157] : memref<320000xf32, #tpu.memory_space<hbm>> -> memref<128xf32, #tpu.memory_space<hbm>>
      tpu.enqueue_dma source(%dma_start3A_162 : memref<128xf32, #tpu.memory_space<hbm>>) target(%arg9 : memref<128xf32, #tpu.memory_space<vmem>>) target_semaphore(%arg14 : memref<!tpu.dma_semaphore, #tpu.memory_space<semaphore_mem>>)
      %dma_wait3A = tpu.memref_slice %arg2[%add3A_157] : memref<320000xi32, #tpu.memory_space<hbm>> -> memref<128xi32, #tpu.memory_space<hbm>>
      %dma_wait3A_163 = tpu.memref_slice %arg2[%add3A_157] : memref<320000xi32, #tpu.memory_space<hbm>> -> memref<128xi32, #tpu.memory_space<hbm>>
      tpu.wait_dma2 semaphore(%arg12 : memref<!tpu.dma_semaphore, #tpu.memory_space<semaphore_mem>>) src(%dma_wait3A_163 : memref<128xi32, #tpu.memory_space<hbm>>) dst(%arg6 : memref<128xi32, #tpu.memory_space<vmem>>)
      %dma_wait3A_164 = tpu.memref_slice %arg3[%add3A_157] : memref<320000xi32, #tpu.memory_space<hbm>> -> memref<128xi32, #tpu.memory_space<hbm>>
      %dma_wait3A_165 = tpu.memref_slice %arg3[%add3A_157] : memref<320000xi32, #tpu.memory_space<hbm>> -> memref<128xi32, #tpu.memory_space<hbm>>
      tpu.wait_dma2 semaphore(%arg13 : memref<!tpu.dma_semaphore, #tpu.memory_space<semaphore_mem>>) src(%dma_wait3A_165 : memref<128xi32, #tpu.memory_space<hbm>>) dst(%arg7 : memref<128xi32, #tpu.memory_space<vmem>>)
      %dma_wait3A_166 = tpu.memref_slice %arg4[%add3A_157] : memref<320000xf32, #tpu.memory_space<hbm>> -> memref<128xf32, #tpu.memory_space<hbm>>
      %dma_wait3A_167 = tpu.memref_slice %arg4[%add3A_157] : memref<320000xf32, #tpu.memory_space<hbm>> -> memref<128xf32, #tpu.memory_space<hbm>>
      tpu.wait_dma2 semaphore(%arg14 : memref<!tpu.dma_semaphore, #tpu.memory_space<semaphore_mem>>) src(%dma_wait3A_167 : memref<128xf32, #tpu.memory_space<hbm>>) dst(%arg9 : memref<128xf32, #tpu.memory_space<vmem>>)
      %scan3A_168 = arith.constant 0 : i32
      %scan3A_169 = arith.constant 0 : i32
      %scan3A_170 = arith.constant 8 : i32
      %scan3A_171 = arith.addi %scan3A_169, %scan3A_170 : i32
      %scan3A_172 = arith.constant 1 : i32
      scf.for %scan3A_174 = %scan3A_169 to %scan3A_171 step %scan3A_172  : i32 {
        %mul3A_175 = arith.constant 16 : i32
        %mul3A_176 = arith.muli %scan3A_174, %mul3A_175 : i32
        %get3A_177 = arith.index_cast %mul3A_176 : i32 to index
        %get3A_178 = tpu.vector_load %arg6[%get3A_177] {strides = array<i32>} : memref<128xi32, #tpu.memory_space<vmem>>, vector<16xi32>,
        %get3A_179 = vector.shape_cast %get3A_178 : vector<16xi32> to vector<16xi32>
        %mul3A_180 = arith.constant 16 : i32
        %mul3A_181 = arith.muli %scan3A_174, %mul3A_180 : i32
        %get3A_182 = arith.index_cast %mul3A_181 : i32 to index
        %get3A_183 = tpu.vector_load %arg7[%get3A_182] {strides = array<i32>} : memref<128xi32, #tpu.memory_space<vmem>>, vector<16xi32>,
        %get3A_184 = vector.shape_cast %get3A_183 : vector<16xi32> to vector<16xi32>
        %mul3A_185 = arith.constant 200 : i32
        %mul3A_186 = vector.broadcast %mul3A_185 : i32 to vector<16xi32>
        %mul3A_187 = arith.muli %get3A_179, %mul3A_186 : vector<16xi32>
        %rem3A_188 = arith.constant 200 : i32
        %rem3A_189 = vector.broadcast %rem3A_188 : i32 to vector<16xi32>
        %rem3A_190 = arith.remsi %get3A_184, %rem3A_189 : vector<16xi32>
        %add3A_191 = arith.addi %mul3A_187, %rem3A_190 : vector<16xi32>
        %sub3A_192 = vector.broadcast %mul3A_0 : i32 to vector<16xi32>
        %sub3A_193 = arith.subi %add3A_191, %sub3A_192 : vector<16xi32>
        %ge3A_194 = arith.constant 0 : i32
        %ge3A_195 = vector.broadcast %ge3A_194 : i32 to vector<16xi32>
        %ge3A_196 = arith.cmpi sge, %sub3A_193, %ge3A_195 : vector<16xi32>
        %lt3A_197 = arith.constant 1000000 : i32
        %lt3A_198 = vector.broadcast %lt3A_197 : i32 to vector<16xi32>
        %lt3A_199 = arith.cmpi slt, %sub3A_193, %lt3A_198 : vector<16xi32>
        %and3A_200 = arith.andi %ge3A_196, %lt3A_199 : vector<16xi1>
        %and3A_201 = arith.constant 2047 : i32
        %and3A_202 = vector.broadcast %and3A_201 : i32 to vector<16xi32>
        %and3A_203 = arith.andi %add3A_191, %and3A_202 : vector<16xi32>
        %add3A_204 = arith.constant 1000000 : i32
        %add3A_205 = vector.broadcast %add3A_204 : i32 to vector<16xi32>
        %add3A_206 = arith.addi %add3A_205, %and3A_203 : vector<16xi32>
        %select_n3A_207 = arith.select %and3A_200, %sub3A_193, %add3A_206 : vector<16xi1>, vector<16xi32>
        %mul3A_208 = arith.constant 16 : i32
        %mul3A_209 = arith.muli %scan3A_174, %mul3A_208 : i32
        %swap3A_210 = arith.index_cast %mul3A_209 : i32 to index
        %swap3A_211 = tpu.vector_load %arg8[%swap3A_210] {strides = array<i32>} : memref<128xi32, #tpu.memory_space<vmem>>, vector<16xi32>,
        %swap3A_212 = vector.shape_cast %swap3A_211 : vector<16xi32> to vector<16xi32>
        %swap3A_213 = vector.shape_cast %select_n3A_207 : vector<16xi32> to vector<16xi32>
        tpu.vector_store %arg8[%swap3A_210], %swap3A_213 {strides = array<i32>} : memref<128xi32, #tpu.memory_space<vmem>>, vector<16xi32>,
      }
      %scan3A_173 = arith.constant 8 : i32
      "tpu.region"() ({
        %run_scoped3A = tpu.sem_alloc : memref<!tpu.dma_semaphore, #tpu.memory_space<semaphore_mem>>
        %dma_start3A_174 = arith.constant 0 : i32
        %dma_start3A_175 = tpu.memref_slice %arg11[%dma_start3A_174] : memref<1002048xf32, #tpu.memory_space<vmem_shared>> -> memref<1002048xf32, #tpu.memory_space<vmem_shared>>
        tpu.enqueue_indirect_dma source(%arg9 : memref<128xf32, #tpu.memory_space<vmem>>) target(%dma_start3A_175 : memref<1002048xf32, #tpu.memory_space<vmem_shared>>) offsets(%arg8 : memref<128xi32, #tpu.memory_space<vmem>>) semaphore(%run_scoped3A : memref<!tpu.dma_semaphore, #tpu.memory_space<semaphore_mem>>) {add = true}
        %dma_wait3A_176 = arith.constant 0 : i32
        %dma_wait3A_177 = tpu.memref_slice %arg11[%dma_wait3A_176] : memref<1002048xf32, #tpu.memory_space<vmem_shared>> -> memref<1002048xf32, #tpu.memory_space<vmem_shared>>
        tpu.wait_indirect_dma semaphore(%run_scoped3A : memref<!tpu.dma_semaphore, #tpu.memory_space<semaphore_mem>>) src(%arg9 : memref<128xf32, #tpu.memory_space<vmem>>) dst(%dma_wait3A_177 : memref<1002048xf32, #tpu.memory_space<vmem_shared>>)
        tpu.yield
      }) : () -> ()
    }
    %scan3A_9 = arith.constant 156 : i32
    %add3A = arith.constant 19968 : i32
    %add3A_10 = arith.addi %mul3A_4, %add3A : i32
    "tpu.region"() ({
      %run_scoped3A = tpu.sem_alloc : memref<!tpu.dma_semaphore, #tpu.memory_space<semaphore_mem>>
      %dma_start3A = arith.constant 0 : i32
      %dma_start3A_154 = tpu.memref_slice %arg6[%dma_start3A] : memref<128xi32, #tpu.memory_space<vmem>> -> memref<32xi32, #tpu.memory_space<vmem>>
      %dma_start3A_155 = tpu.memref_slice %arg2[%add3A_10] : memref<320000xi32, #tpu.memory_space<hbm>> -> memref<32xi32, #tpu.memory_space<hbm>>
      %dma_start3A_156 = arith.constant 0 : i32
      %dma_start3A_157 = tpu.memref_slice %arg6[%dma_start3A_156] : memref<128xi32, #tpu.memory_space<vmem>> -> memref<32xi32, #tpu.memory_space<vmem>>
      %dma_start3A_158 = tpu.memref_slice %arg2[%add3A_10] : memref<320000xi32, #tpu.memory_space<hbm>> -> memref<32xi32, #tpu.memory_space<hbm>>
      tpu.enqueue_dma source(%dma_start3A_158 : memref<32xi32, #tpu.memory_space<hbm>>) target(%dma_start3A_157 : memref<32xi32, #tpu.memory_space<vmem>>) target_semaphore(%run_scoped3A : memref<!tpu.dma_semaphore, #tpu.memory_space<semaphore_mem>>)
      %dma_wait3A = arith.constant 0 : i32
      %dma_wait3A_159 = tpu.memref_slice %arg6[%dma_wait3A] : memref<128xi32, #tpu.memory_space<vmem>> -> memref<32xi32, #tpu.memory_space<vmem>>
      %dma_wait3A_160 = tpu.memref_slice %arg2[%add3A_10] : memref<320000xi32, #tpu.memory_space<hbm>> -> memref<32xi32, #tpu.memory_space<hbm>>
      %dma_wait3A_161 = arith.constant 0 : i32
      %dma_wait3A_162 = tpu.memref_slice %arg6[%dma_wait3A_161] : memref<128xi32, #tpu.memory_space<vmem>> -> memref<32xi32, #tpu.memory_space<vmem>>
      %dma_wait3A_163 = tpu.memref_slice %arg2[%add3A_10] : memref<320000xi32, #tpu.memory_space<hbm>> -> memref<32xi32, #tpu.memory_space<hbm>>
      tpu.wait_dma2 semaphore(%run_scoped3A : memref<!tpu.dma_semaphore, #tpu.memory_space<semaphore_mem>>) src(%dma_wait3A_163 : memref<32xi32, #tpu.memory_space<hbm>>) dst(%dma_wait3A_162 : memref<32xi32, #tpu.memory_space<vmem>>)
      tpu.yield
    }) : () -> ()
    "tpu.region"() ({
      %run_scoped3A = tpu.sem_alloc : memref<!tpu.dma_semaphore, #tpu.memory_space<semaphore_mem>>
      %dma_start3A = arith.constant 0 : i32
      %dma_start3A_154 = tpu.memref_slice %arg7[%dma_start3A] : memref<128xi32, #tpu.memory_space<vmem>> -> memref<32xi32, #tpu.memory_space<vmem>>
      %dma_start3A_155 = tpu.memref_slice %arg3[%add3A_10] : memref<320000xi32, #tpu.memory_space<hbm>> -> memref<32xi32, #tpu.memory_space<hbm>>
      %dma_start3A_156 = arith.constant 0 : i32
      %dma_start3A_157 = tpu.memref_slice %arg7[%dma_start3A_156] : memref<128xi32, #tpu.memory_space<vmem>> -> memref<32xi32, #tpu.memory_space<vmem>>
      %dma_start3A_158 = tpu.memref_slice %arg3[%add3A_10] : memref<320000xi32, #tpu.memory_space<hbm>> -> memref<32xi32, #tpu.memory_space<hbm>>
      tpu.enqueue_dma source(%dma_start3A_158 : memref<32xi32, #tpu.memory_space<hbm>>) target(%dma_start3A_157 : memref<32xi32, #tpu.memory_space<vmem>>) target_semaphore(%run_scoped3A : memref<!tpu.dma_semaphore, #tpu.memory_space<semaphore_mem>>)
      %dma_wait3A = arith.constant 0 : i32
      %dma_wait3A_159 = tpu.memref_slice %arg7[%dma_wait3A] : memref<128xi32, #tpu.memory_space<vmem>> -> memref<32xi32, #tpu.memory_space<vmem>>
      %dma_wait3A_160 = tpu.memref_slice %arg3[%add3A_10] : memref<320000xi32, #tpu.memory_space<hbm>> -> memref<32xi32, #tpu.memory_space<hbm>>
      %dma_wait3A_161 = arith.constant 0 : i32
      %dma_wait3A_162 = tpu.memref_slice %arg7[%dma_wait3A_161] : memref<128xi32, #tpu.memory_space<vmem>> -> memref<32xi32, #tpu.memory_space<vmem>>
      %dma_wait3A_163 = tpu.memref_slice %arg3[%add3A_10] : memref<320000xi32, #tpu.memory_space<hbm>> -> memref<32xi32, #tpu.memory_space<hbm>>
      tpu.wait_dma2 semaphore(%run_scoped3A : memref<!tpu.dma_semaphore, #tpu.memory_space<semaphore_mem>>) src(%dma_wait3A_163 : memref<32xi32, #tpu.memory_space<hbm>>) dst(%dma_wait3A_162 : memref<32xi32, #tpu.memory_space<vmem>>)
      tpu.yield
    }) : () -> ()
    "tpu.region"() ({
      %run_scoped3A = tpu.sem_alloc : memref<!tpu.dma_semaphore, #tpu.memory_space<semaphore_mem>>
      %dma_start3A = arith.constant 0 : i32
      %dma_start3A_154 = tpu.memref_slice %arg9[%dma_start3A] : memref<128xf32, #tpu.memory_space<vmem>> -> memref<32xf32, #tpu.memory_space<vmem>>
      %dma_start3A_155 = tpu.memref_slice %arg4[%add3A_10] : memref<320000xf32, #tpu.memory_space<hbm>> -> memref<32xf32, #tpu.memory_space<hbm>>
      %dma_start3A_156 = arith.constant 0 : i32
      %dma_start3A_157 = tpu.memref_slice %arg9[%dma_start3A_156] : memref<128xf32, #tpu.memory_space<vmem>> -> memref<32xf32, #tpu.memory_space<vmem>>
      %dma_start3A_158 = tpu.memref_slice %arg4[%add3A_10] : memref<320000xf32, #tpu.memory_space<hbm>> -> memref<32xf32, #tpu.memory_space<hbm>>
      tpu.enqueue_dma source(%dma_start3A_158 : memref<32xf32, #tpu.memory_space<hbm>>) target(%dma_start3A_157 : memref<32xf32, #tpu.memory_space<vmem>>) target_semaphore(%run_scoped3A : memref<!tpu.dma_semaphore, #tpu.memory_space<semaphore_mem>>)
      %dma_wait3A = arith.constant 0 : i32
      %dma_wait3A_159 = tpu.memref_slice %arg9[%dma_wait3A] : memref<128xf32, #tpu.memory_space<vmem>> -> memref<32xf32, #tpu.memory_space<vmem>>
      %dma_wait3A_160 = tpu.memref_slice %arg4[%add3A_10] : memref<320000xf32, #tpu.memory_space<hbm>> -> memref<32xf32, #tpu.memory_space<hbm>>
      %dma_wait3A_161 = arith.constant 0 : i32
      %dma_wait3A_162 = tpu.memref_slice %arg9[%dma_wait3A_161] : memref<128xf32, #tpu.memory_space<vmem>> -> memref<32xf32, #tpu.memory_space<vmem>>
      %dma_wait3A_163 = tpu.memref_slice %arg4[%add3A_10] : memref<320000xf32, #tpu.memory_space<hbm>> -> memref<32xf32, #tpu.memory_space<hbm>>
      tpu.wait_dma2 semaphore(%run_scoped3A : memref<!tpu.dma_semaphore, #tpu.memory_space<semaphore_mem>>) src(%dma_wait3A_163 : memref<32xf32, #tpu.memory_space<hbm>>) dst(%dma_wait3A_162 : memref<32xf32, #tpu.memory_space<vmem>>)
      tpu.yield
    }) : () -> ()
    %get3A = arith.constant 0 : index
    %get3A_11 = tpu.vector_load %arg6[%get3A] {strides = array<i32>} : memref<128xi32, #tpu.memory_space<vmem>>, vector<16xi32>,
    %get3A_12 = vector.shape_cast %get3A_11 : vector<16xi32> to vector<16xi32>
    %get3A_13 = arith.constant 0 : index
    %get3A_14 = tpu.vector_load %arg7[%get3A_13] {strides = array<i32>} : memref<128xi32, #tpu.memory_space<vmem>>, vector<16xi32>,
    %get3A_15 = vector.shape_cast %get3A_14 : vector<16xi32> to vector<16xi32>
    %mul3A_16 = arith.constant 200 : i32
    %mul3A_17 = vector.broadcast %mul3A_16 : i32 to vector<16xi32>
    %mul3A_18 = arith.muli %get3A_12, %mul3A_17 : vector<16xi32>
    %rem3A = arith.constant 200 : i32
    %rem3A_19 = vector.broadcast %rem3A : i32 to vector<16xi32>
    %rem3A_20 = arith.remsi %get3A_15, %rem3A_19 : vector<16xi32>
    %add3A_21 = arith.addi %mul3A_18, %rem3A_20 : vector<16xi32>
    %sub3A = vector.broadcast %mul3A_0 : i32 to vector<16xi32>
    %sub3A_22 = arith.subi %add3A_21, %sub3A : vector<16xi32>
    %ge3A = arith.constant 0 : i32
    %ge3A_23 = vector.broadcast %ge3A : i32 to vector<16xi32>
    %ge3A_24 = arith.cmpi sge, %sub3A_22, %ge3A_23 : vector<16xi32>
    %lt3A_25 = arith.constant 1000000 : i32
    %lt3A_26 = vector.broadcast %lt3A_25 : i32 to vector<16xi32>
    %lt3A_27 = arith.cmpi slt, %sub3A_22, %lt3A_26 : vector<16xi32>
    %and3A = arith.andi %ge3A_24, %lt3A_27 : vector<16xi1>
    %and3A_28 = arith.constant 2047 : i32
    %and3A_29 = vector.broadcast %and3A_28 : i32 to vector<16xi32>
    %and3A_30 = arith.andi %add3A_21, %and3A_29 : vector<16xi32>
    %add3A_31 = arith.constant 1000000 : i32
    %add3A_32 = vector.broadcast %add3A_31 : i32 to vector<16xi32>
    %add3A_33 = arith.addi %add3A_32, %and3A_30 : vector<16xi32>
    %select_n3A = arith.select %and3A, %sub3A_22, %add3A_33 : vector<16xi1>, vector<16xi32>
    %swap3A = arith.constant 0 : index
    %swap3A_34 = tpu.vector_load %arg8[%swap3A] {strides = array<i32>} : memref<128xi32, #tpu.memory_space<vmem>>, vector<16xi32>,
    %swap3A_35 = vector.shape_cast %swap3A_34 : vector<16xi32> to vector<16xi32>
    %swap3A_36 = vector.shape_cast %select_n3A : vector<16xi32> to vector<16xi32>
    tpu.vector_store %arg8[%swap3A], %swap3A_36 {strides = array<i32>} : memref<128xi32, #tpu.memory_space<vmem>>, vector<16xi32>,
    %get3A_37 = arith.constant 16 : index
    %get3A_38 = tpu.vector_load %arg6[%get3A_37] {strides = array<i32>} : memref<128xi32, #tpu.memory_space<vmem>>, vector<16xi32>,
    %get3A_39 = vector.shape_cast %get3A_38 : vector<16xi32> to vector<16xi32>
    %get3A_40 = arith.constant 16 : index
    %get3A_41 = tpu.vector_load %arg7[%get3A_40] {strides = array<i32>} : memref<128xi32, #tpu.memory_space<vmem>>, vector<16xi32>,
    %get3A_42 = vector.shape_cast %get3A_41 : vector<16xi32> to vector<16xi32>
    %mul3A_43 = arith.constant 200 : i32
    %mul3A_44 = vector.broadcast %mul3A_43 : i32 to vector<16xi32>
    %mul3A_45 = arith.muli %get3A_39, %mul3A_44 : vector<16xi32>
    %rem3A_46 = arith.constant 200 : i32
    %rem3A_47 = vector.broadcast %rem3A_46 : i32 to vector<16xi32>
    %rem3A_48 = arith.remsi %get3A_42, %rem3A_47 : vector<16xi32>
    %add3A_49 = arith.addi %mul3A_45, %rem3A_48 : vector<16xi32>
    %sub3A_50 = vector.broadcast %mul3A_0 : i32 to vector<16xi32>
    %sub3A_51 = arith.subi %add3A_49, %sub3A_50 : vector<16xi32>
    %ge3A_52 = arith.constant 0 : i32
    %ge3A_53 = vector.broadcast %ge3A_52 : i32 to vector<16xi32>
    %ge3A_54 = arith.cmpi sge, %sub3A_51, %ge3A_53 : vector<16xi32>
    %lt3A_55 = arith.constant 1000000 : i32
    %lt3A_56 = vector.broadcast %lt3A_55 : i32 to vector<16xi32>
    %lt3A_57 = arith.cmpi slt, %sub3A_51, %lt3A_56 : vector<16xi32>
    %and3A_58 = arith.andi %ge3A_54, %lt3A_57 : vector<16xi1>
    %and3A_59 = arith.constant 2047 : i32
    %and3A_60 = vector.broadcast %and3A_59 : i32 to vector<16xi32>
    %and3A_61 = arith.andi %add3A_49, %and3A_60 : vector<16xi32>
    %add3A_62 = arith.constant 1000000 : i32
    %add3A_63 = vector.broadcast %add3A_62 : i32 to vector<16xi32>
    %add3A_64 = arith.addi %add3A_63, %and3A_61 : vector<16xi32>
    %select_n3A_65 = arith.select %and3A_58, %sub3A_51, %add3A_64 : vector<16xi1>, vector<16xi32>
    %swap3A_66 = arith.constant 16 : index
    %swap3A_67 = tpu.vector_load %arg8[%swap3A_66] {strides = array<i32>} : memref<128xi32, #tpu.memory_space<vmem>>, vector<16xi32>,
    %swap3A_68 = vector.shape_cast %swap3A_67 : vector<16xi32> to vector<16xi32>
    %swap3A_69 = vector.shape_cast %select_n3A_65 : vector<16xi32> to vector<16xi32>
    tpu.vector_store %arg8[%swap3A_66], %swap3A_69 {strides = array<i32>} : memref<128xi32, #tpu.memory_space<vmem>>, vector<16xi32>,
    %iota3A = tpu.iota {dimensions = array<i32: 0>} : vector<16xi32>
    %add3A_70 = arith.constant 32 : i32
    %add3A_71 = vector.broadcast %add3A_70 : i32 to vector<16xi32>
    %add3A_72 = arith.addi %add3A_71, %iota3A : vector<16xi32>
    %and3A_73 = arith.constant 2047 : i32
    %and3A_74 = vector.broadcast %and3A_73 : i32 to vector<16xi32>
    %and3A_75 = arith.andi %add3A_72, %and3A_74 : vector<16xi32>
    %add3A_76 = arith.constant 1000000 : i32
    %add3A_77 = vector.broadcast %add3A_76 : i32 to vector<16xi32>
    %add3A_78 = arith.addi %add3A_77, %and3A_75 : vector<16xi32>
    %swap3A_79 = arith.constant 32 : index
    %swap3A_80 = tpu.vector_load %arg8[%swap3A_79] {strides = array<i32>} : memref<128xi32, #tpu.memory_space<vmem>>, vector<16xi32>,
    %swap3A_81 = vector.shape_cast %swap3A_80 : vector<16xi32> to vector<16xi32>
    %swap3A_82 = vector.shape_cast %add3A_78 : vector<16xi32> to vector<16xi32>
    tpu.vector_store %arg8[%swap3A_79], %swap3A_82 {strides = array<i32>} : memref<128xi32, #tpu.memory_space<vmem>>, vector<16xi32>,
    %add3A_83 = arith.constant 48 : i32
    %add3A_84 = vector.broadcast %add3A_83 : i32 to vector<16xi32>
    %add3A_85 = arith.addi %add3A_84, %iota3A : vector<16xi32>
    %and3A_86 = arith.constant 2047 : i32
    %and3A_87 = vector.broadcast %and3A_86 : i32 to vector<16xi32>
    %and3A_88 = arith.andi %add3A_85, %and3A_87 : vector<16xi32>
    %add3A_89 = arith.constant 1000000 : i32
    %add3A_90 = vector.broadcast %add3A_89 : i32 to vector<16xi32>
    %add3A_91 = arith.addi %add3A_90, %and3A_88 : vector<16xi32>
    %swap3A_92 = arith.constant 48 : index
    %swap3A_93 = tpu.vector_load %arg8[%swap3A_92] {strides = array<i32>} : memref<128xi32, #tpu.memory_space<vmem>>, vector<16xi32>,
    %swap3A_94 = vector.shape_cast %swap3A_93 : vector<16xi32> to vector<16xi32>
    %swap3A_95 = vector.shape_cast %add3A_91 : vector<16xi32> to vector<16xi32>
    tpu.vector_store %arg8[%swap3A_92], %swap3A_95 {strides = array<i32>} : memref<128xi32, #tpu.memory_space<vmem>>, vector<16xi32>,
    %add3A_96 = arith.constant 64 : i32
    %add3A_97 = vector.broadcast %add3A_96 : i32 to vector<16xi32>
    %add3A_98 = arith.addi %add3A_97, %iota3A : vector<16xi32>
    %and3A_99 = arith.constant 2047 : i32
    %and3A_100 = vector.broadcast %and3A_99 : i32 to vector<16xi32>
    %and3A_101 = arith.andi %add3A_98, %and3A_100 : vector<16xi32>
    %add3A_102 = arith.constant 1000000 : i32
    %add3A_103 = vector.broadcast %add3A_102 : i32 to vector<16xi32>
    %add3A_104 = arith.addi %add3A_103, %and3A_101 : vector<16xi32>
    %swap3A_105 = arith.constant 64 : index
    %swap3A_106 = tpu.vector_load %arg8[%swap3A_105] {strides = array<i32>} : memref<128xi32, #tpu.memory_space<vmem>>, vector<16xi32>,
    %swap3A_107 = vector.shape_cast %swap3A_106 : vector<16xi32> to vector<16xi32>
    %swap3A_108 = vector.shape_cast %add3A_104 : vector<16xi32> to vector<16xi32>
    tpu.vector_store %arg8[%swap3A_105], %swap3A_108 {strides = array<i32>} : memref<128xi32, #tpu.memory_space<vmem>>, vector<16xi32>,
    %add3A_109 = arith.constant 80 : i32
    %add3A_110 = vector.broadcast %add3A_109 : i32 to vector<16xi32>
    %add3A_111 = arith.addi %add3A_110, %iota3A : vector<16xi32>
    %and3A_112 = arith.constant 2047 : i32
    %and3A_113 = vector.broadcast %and3A_112 : i32 to vector<16xi32>
    %and3A_114 = arith.andi %add3A_111, %and3A_113 : vector<16xi32>
    %add3A_115 = arith.constant 1000000 : i32
    %add3A_116 = vector.broadcast %add3A_115 : i32 to vector<16xi32>
    %add3A_117 = arith.addi %add3A_116, %and3A_114 : vector<16xi32>
    %swap3A_118 = arith.constant 80 : index
    %swap3A_119 = tpu.vector_load %arg8[%swap3A_118] {strides = array<i32>} : memref<128xi32, #tpu.memory_space<vmem>>, vector<16xi32>,
    %swap3A_120 = vector.shape_cast %swap3A_119 : vector<16xi32> to vector<16xi32>
    %swap3A_121 = vector.shape_cast %add3A_117 : vector<16xi32> to vector<16xi32>
    tpu.vector_store %arg8[%swap3A_118], %swap3A_121 {strides = array<i32>} : memref<128xi32, #tpu.memory_space<vmem>>, vector<16xi32>,
    %add3A_122 = arith.constant 96 : i32
    %add3A_123 = vector.broadcast %add3A_122 : i32 to vector<16xi32>
    %add3A_124 = arith.addi %add3A_123, %iota3A : vector<16xi32>
    %and3A_125 = arith.constant 2047 : i32
    %and3A_126 = vector.broadcast %and3A_125 : i32 to vector<16xi32>
    %and3A_127 = arith.andi %add3A_124, %and3A_126 : vector<16xi32>
    %add3A_128 = arith.constant 1000000 : i32
    %add3A_129 = vector.broadcast %add3A_128 : i32 to vector<16xi32>
    %add3A_130 = arith.addi %add3A_129, %and3A_127 : vector<16xi32>
    %swap3A_131 = arith.constant 96 : index
    %swap3A_132 = tpu.vector_load %arg8[%swap3A_131] {strides = array<i32>} : memref<128xi32, #tpu.memory_space<vmem>>, vector<16xi32>,
    %swap3A_133 = vector.shape_cast %swap3A_132 : vector<16xi32> to vector<16xi32>
    %swap3A_134 = vector.shape_cast %add3A_130 : vector<16xi32> to vector<16xi32>
    tpu.vector_store %arg8[%swap3A_131], %swap3A_134 {strides = array<i32>} : memref<128xi32, #tpu.memory_space<vmem>>, vector<16xi32>,
    %add3A_135 = arith.constant 112 : i32
    %add3A_136 = vector.broadcast %add3A_135 : i32 to vector<16xi32>
    %add3A_137 = arith.addi %add3A_136, %iota3A : vector<16xi32>
    %and3A_138 = arith.constant 2047 : i32
    %and3A_139 = vector.broadcast %and3A_138 : i32 to vector<16xi32>
    %and3A_140 = arith.andi %add3A_137, %and3A_139 : vector<16xi32>
    %add3A_141 = arith.constant 1000000 : i32
    %add3A_142 = vector.broadcast %add3A_141 : i32 to vector<16xi32>
    %add3A_143 = arith.addi %add3A_142, %and3A_140 : vector<16xi32>
    %swap3A_144 = arith.constant 112 : index
    %swap3A_145 = tpu.vector_load %arg8[%swap3A_144] {strides = array<i32>} : memref<128xi32, #tpu.memory_space<vmem>>, vector<16xi32>,
    %swap3A_146 = vector.shape_cast %swap3A_145 : vector<16xi32> to vector<16xi32>
    %swap3A_147 = vector.shape_cast %add3A_143 : vector<16xi32> to vector<16xi32>
    tpu.vector_store %arg8[%swap3A_144], %swap3A_147 {strides = array<i32>} : memref<128xi32, #tpu.memory_space<vmem>>, vector<16xi32>,
    "tpu.region"() ({
      %run_scoped3A = tpu.sem_alloc : memref<!tpu.dma_semaphore, #tpu.memory_space<semaphore_mem>>
      %dma_start3A = arith.constant 0 : i32
      %dma_start3A_154 = tpu.memref_slice %arg11[%dma_start3A] : memref<1002048xf32, #tpu.memory_space<vmem_shared>> -> memref<1002048xf32, #tpu.memory_space<vmem_shared>>
      tpu.enqueue_indirect_dma source(%arg9 : memref<128xf32, #tpu.memory_space<vmem>>) target(%dma_start3A_154 : memref<1002048xf32, #tpu.memory_space<vmem_shared>>) offsets(%arg8 : memref<128xi32, #tpu.memory_space<vmem>>) semaphore(%run_scoped3A : memref<!tpu.dma_semaphore, #tpu.memory_space<semaphore_mem>>) {add = true}
      %dma_wait3A = arith.constant 0 : i32
      %dma_wait3A_155 = tpu.memref_slice %arg11[%dma_wait3A] : memref<1002048xf32, #tpu.memory_space<vmem_shared>> -> memref<1002048xf32, #tpu.memory_space<vmem_shared>>
      tpu.wait_indirect_dma semaphore(%run_scoped3A : memref<!tpu.dma_semaphore, #tpu.memory_space<semaphore_mem>>) src(%arg9 : memref<128xf32, #tpu.memory_space<vmem>>) dst(%dma_wait3A_155 : memref<1002048xf32, #tpu.memory_space<vmem_shared>>)
      tpu.yield
    }) : () -> ()
    %barrier3A_148 = arith.constant 0 : index
    tpu.barrier barrier_id(%barrier3A_148)
    %lt3A_149 = arith.constant 10 : i32
    %lt3A_150 = arith.cmpi slt, %arg1, %lt3A_149 : i32
    %convert_element_type3A_151 = arith.extui %lt3A_150 : i1 to i32
    %cond3A_152 = arith.constant 0 : i32
    %cond3A_153 = arith.cmpi ne, %convert_element_type3A_151, %cond3A_152 : i32
    scf.if %cond3A_153 {
      %scan3A_154 = arith.constant 0 : i32
      %scan3A_155 = arith.constant 0 : i32
      %scan3A_156 = arith.constant 10 : i32
      %scan3A_157 = arith.addi %scan3A_155, %scan3A_156 : i32
      %scan3A_158 = arith.constant 1 : i32
      scf.for %scan3A_160 = %scan3A_155 to %scan3A_157 step %scan3A_158  : i32 {
        %mul3A_161 = arith.constant 100000 : i32
        %mul3A_162 = arith.muli %arg1, %mul3A_161 : i32
        %mul3A_163 = arith.constant 10000 : i32
        %mul3A_164 = arith.muli %scan3A_160, %mul3A_163 : i32
        %add3A_165 = arith.addi %mul3A_162, %mul3A_164 : i32
        "tpu.region"() ({
          %run_scoped3A = tpu.sem_alloc : memref<!tpu.dma_semaphore, #tpu.memory_space<semaphore_mem>>
          %dma_start3A = tpu.memref_slice %arg11[%add3A_165] : memref<1002048xf32, #tpu.memory_space<vmem_shared>> -> memref<10000xf32, #tpu.memory_space<vmem_shared>>
          %dma_start3A_167 = tpu.memref_slice %arg11[%add3A_165] : memref<1002048xf32, #tpu.memory_space<vmem_shared>> -> memref<10000xf32, #tpu.memory_space<vmem_shared>>
          tpu.enqueue_dma source(%dma_start3A_167 : memref<10000xf32, #tpu.memory_space<vmem_shared>>) target(%arg10 : memref<10000xf32, #tpu.memory_space<vmem>>) target_semaphore(%run_scoped3A : memref<!tpu.dma_semaphore, #tpu.memory_space<semaphore_mem>>)
          %dma_wait3A = tpu.memref_slice %arg11[%add3A_165] : memref<1002048xf32, #tpu.memory_space<vmem_shared>> -> memref<10000xf32, #tpu.memory_space<vmem_shared>>
          %dma_wait3A_168 = tpu.memref_slice %arg11[%add3A_165] : memref<1002048xf32, #tpu.memory_space<vmem_shared>> -> memref<10000xf32, #tpu.memory_space<vmem_shared>>
          tpu.wait_dma2 semaphore(%run_scoped3A : memref<!tpu.dma_semaphore, #tpu.memory_space<semaphore_mem>>) src(%dma_wait3A_168 : memref<10000xf32, #tpu.memory_space<vmem_shared>>) dst(%arg10 : memref<10000xf32, #tpu.memory_space<vmem>>)
          tpu.yield
        }) : () -> ()
        %add3A_166 = arith.addi %mul3A_0, %add3A_165 : i32
        "tpu.region"() ({
          %run_scoped3A = tpu.sem_alloc : memref<!tpu.dma_semaphore, #tpu.memory_space<semaphore_mem>>
          %dma_start3A = tpu.memref_slice %arg5[%add3A_166] : memref<2000000xf32, #tpu.memory_space<hbm>> -> memref<10000xf32, #tpu.memory_space<hbm>>
          %dma_start3A_167 = tpu.memref_slice %arg5[%add3A_166] : memref<2000000xf32, #tpu.memory_space<hbm>> -> memref<10000xf32, #tpu.memory_space<hbm>>
          tpu.enqueue_dma source(%arg10 : memref<10000xf32, #tpu.memory_space<vmem>>) target(%dma_start3A_167 : memref<10000xf32, #tpu.memory_space<hbm>>) target_semaphore(%run_scoped3A : memref<!tpu.dma_semaphore, #tpu.memory_space<semaphore_mem>>)
          %dma_wait3A = tpu.memref_slice %arg5[%add3A_166] : memref<2000000xf32, #tpu.memory_space<hbm>> -> memref<10000xf32, #tpu.memory_space<hbm>>
          %dma_wait3A_168 = tpu.memref_slice %arg5[%add3A_166] : memref<2000000xf32, #tpu.memory_space<hbm>> -> memref<10000xf32, #tpu.memory_space<hbm>>
          tpu.wait_dma2 semaphore(%run_scoped3A : memref<!tpu.dma_semaphore, #tpu.memory_space<semaphore_mem>>) src(%arg10 : memref<10000xf32, #tpu.memory_space<vmem>>) dst(%dma_wait3A_168 : memref<10000xf32, #tpu.memory_space<hbm>>)
          tpu.yield
        }) : () -> ()
      }
      %scan3A_159 = arith.constant 10 : i32
    } else {
    }
    return
  }
}

module attributes {stable_mosaic.version = 14 : i64} {
  func.func @_tc_body(%arg0: i32, %arg1: memref<1x200x200xf32, #tpu.memory_space<vmem>>, %arg2: memref<1x200x128xf32, #tpu.memory_space<vmem>>, %arg3: memref<1x200x1xf32, #tpu.memory_space<vmem>>, %arg4: memref<128x32xf32, #tpu.memory_space<vmem>>, %arg5: memref<32x32xf32, #tpu.memory_space<vmem>>, %arg6: memref<32x32xf32, #tpu.memory_space<vmem>>, %arg7: memref<32x1xf32, #tpu.memory_space<vmem>>, %arg8: memref<1x32xf32, #tpu.memory_space<vmem>>, %arg9: memref<1x32xf32, #tpu.memory_space<vmem>>, %arg10: memref<1x32xf32, #tpu.memory_space<vmem>>, %arg11: memref<1x1xf32, #tpu.memory_space<vmem>>, %arg12: memref<32x32xf32, #tpu.memory_space<vmem>>, %arg13: memref<32x32xf32, #tpu.memory_space<vmem>>, %arg14: memref<32x32xf32, #tpu.memory_space<vmem>>, %arg15: memref<1x1xf32, #tpu.memory_space<vmem>>, %arg16: memref<1x32xf32, #tpu.memory_space<vmem>>, %arg17: memref<1x32xf32, #tpu.memory_space<vmem>>, %arg18: memref<1x32xf32, #tpu.memory_space<vmem>>, %arg19: memref<1x1xf32, #tpu.memory_space<vmem>>, %arg20: memref<97x16xf32, #tpu.memory_space<vmem>>, %arg21: memref<1x16xf32, #tpu.memory_space<vmem>>, %arg22: memref<5x16x32xf32, #tpu.memory_space<vmem>>, %arg23: memref<1x32xf32, #tpu.memory_space<vmem>>, %arg24: memref<352x128xf32, #tpu.memory_space<vmem>>, %arg25: memref<1x128xf32, #tpu.memory_space<vmem>>, %arg26: memref<1x1x128xf32, #tpu.memory_space<vmem>>) attributes {dimension_semantics = [#tpu.dimension_semantics<arbitrary>], iteration_bounds = array<i64: 50>, scalar_prefetch = 0 : i64, scratch_operands = 0 : i64, tpu.core_type = #tpu.core_type<tc>, window_params = [{transform_indices = @transform_0, window_bounds = array<i64: 1, 200, 200>}, {transform_indices = @transform_1, window_bounds = array<i64: 1, 200, 128>}, {transform_indices = @transform_2, window_bounds = array<i64: 1, 200, 1>}, {pipeline_mode = #tpu.pipeline_mode<synchronous>, transform_indices = @transform_3, window_bounds = array<i64: 128, 32>}, {pipeline_mode = #tpu.pipeline_mode<synchronous>, transform_indices = @transform_4, window_bounds = array<i64: 32, 32>}, {pipeline_mode = #tpu.pipeline_mode<synchronous>, transform_indices = @transform_5, window_bounds = array<i64: 32, 32>}, {pipeline_mode = #tpu.pipeline_mode<synchronous>, transform_indices = @transform_6, window_bounds = array<i64: 32, 1>}, {pipeline_mode = #tpu.pipeline_mode<synchronous>, transform_indices = @transform_7, window_bounds = array<i64: 1, 32>}, {pipeline_mode = #tpu.pipeline_mode<synchronous>, transform_indices = @transform_8, window_bounds = array<i64: 1, 32>}, {pipeline_mode = #tpu.pipeline_mode<synchronous>, transform_indices = @transform_9, window_bounds = array<i64: 1, 32>}, {pipeline_mode = #tpu.pipeline_mode<synchronous>, transform_indices = @transform_10, window_bounds = array<i64: 1, 1>}, {pipeline_mode = #tpu.pipeline_mode<synchronous>, transform_indices = @transform_11, window_bounds = array<i64: 32, 32>}, {pipeline_mode = #tpu.pipeline_mode<synchronous>, transform_indices = @transform_12, window_bounds = array<i64: 32, 32>}, {pipeline_mode = #tpu.pipeline_mode<synchronous>, transform_indices = @transform_13, window_bounds = array<i64: 32, 32>}, {pipeline_mode = #tpu.pipeline_mode<synchronous>, transform_indices = @transform_14, window_bounds = array<i64: 1, 1>}, {pipeline_mode = #tpu.pipeline_mode<synchronous>, transform_indices = @transform_15, window_bounds = array<i64: 1, 32>}, {pipeline_mode = #tpu.pipeline_mode<synchronous>, transform_indices = @transform_16, window_bounds = array<i64: 1, 32>}, {pipeline_mode = #tpu.pipeline_mode<synchronous>, transform_indices = @transform_17, window_bounds = array<i64: 1, 32>}, {pipeline_mode = #tpu.pipeline_mode<synchronous>, transform_indices = @transform_18, window_bounds = array<i64: 1, 1>}, {pipeline_mode = #tpu.pipeline_mode<synchronous>, transform_indices = @transform_19, window_bounds = array<i64: 97, 16>}, {pipeline_mode = #tpu.pipeline_mode<synchronous>, transform_indices = @transform_20, window_bounds = array<i64: 1, 16>}, {pipeline_mode = #tpu.pipeline_mode<synchronous>, transform_indices = @transform_21, window_bounds = array<i64: 5, 16, 32>}, {pipeline_mode = #tpu.pipeline_mode<synchronous>, transform_indices = @transform_22, window_bounds = array<i64: 1, 32>}, {pipeline_mode = #tpu.pipeline_mode<synchronous>, transform_indices = @transform_23, window_bounds = array<i64: 352, 128>}, {pipeline_mode = #tpu.pipeline_mode<synchronous>, transform_indices = @transform_24, window_bounds = array<i64: 1, 128>}, {transform_indices = @transform_25, window_bounds = array<i64: 1, 1, 128>}]} {
    %get3A = arith.constant 0 : index
    %get3A_0 = arith.constant 0 : index
    %get3A_1 = arith.constant 0 : index
    %get3A_2 = vector.load %arg1[%get3A, %get3A_0, %get3A_1] : memref<1x200x200xf32, #tpu.memory_space<vmem>>, vector<1x200x200xf32>
    %get3A_3 = vector.shape_cast %get3A_2 : vector<1x200x200xf32> to vector<200x200xf32>
    %get3A_4 = arith.constant 0 : index
    %get3A_5 = arith.constant 0 : index
    %get3A_6 = arith.constant 0 : index
    %get3A_7 = vector.load %arg2[%get3A_4, %get3A_5, %get3A_6] : memref<1x200x128xf32, #tpu.memory_space<vmem>>, vector<1x200x128xf32>
    %get3A_8 = vector.shape_cast %get3A_7 : vector<1x200x128xf32> to vector<200x128xf32>
    %get3A_9 = arith.constant 0 : index
    %get3A_10 = arith.constant 0 : index
    %get3A_11 = arith.constant 0 : index
    %get3A_12 = vector.load %arg3[%get3A_9, %get3A_10, %get3A_11] : memref<1x200x1xf32, #tpu.memory_space<vmem>>, vector<1x200x1xf32>
    %get3A_13 = vector.shape_cast %get3A_12 : vector<1x200x1xf32> to vector<200x1xf32>
    %get3A_14 = arith.constant 0 : index
    %get3A_15 = arith.constant 0 : index
    %get3A_16 = vector.load %arg4[%get3A_14, %get3A_15] : memref<128x32xf32, #tpu.memory_space<vmem>>, vector<128x32xf32>
    %get3A_17 = arith.constant 0 : index
    %get3A_18 = arith.constant 0 : index
    %get3A_19 = vector.load %arg5[%get3A_17, %get3A_18] : memref<32x32xf32, #tpu.memory_space<vmem>>, vector<32x32xf32>
    %get3A_20 = arith.constant 0 : index
    %get3A_21 = arith.constant 0 : index
    %get3A_22 = vector.load %arg6[%get3A_20, %get3A_21] : memref<32x32xf32, #tpu.memory_space<vmem>>, vector<32x32xf32>
    %get3A_23 = arith.constant 0 : index
    %get3A_24 = arith.constant 0 : index
    %get3A_25 = vector.load %arg7[%get3A_23, %get3A_24] : memref<32x1xf32, #tpu.memory_space<vmem>>, vector<32x1xf32>
    %get3A_26 = arith.constant 0 : index
    %get3A_27 = arith.constant 0 : index
    %get3A_28 = vector.load %arg8[%get3A_26, %get3A_27] : memref<1x32xf32, #tpu.memory_space<vmem>>, vector<1x32xf32>
    %get3A_29 = arith.constant 0 : index
    %get3A_30 = arith.constant 0 : index
    %get3A_31 = vector.load %arg9[%get3A_29, %get3A_30] : memref<1x32xf32, #tpu.memory_space<vmem>>, vector<1x32xf32>
    %get3A_32 = arith.constant 0 : index
    %get3A_33 = arith.constant 0 : index
    %get3A_34 = vector.load %arg10[%get3A_32, %get3A_33] : memref<1x32xf32, #tpu.memory_space<vmem>>, vector<1x32xf32>
    %get3A_35 = arith.constant 0 : index
    %get3A_36 = arith.constant 0 : index
    %get3A_37 = vector.load %arg11[%get3A_35, %get3A_36] : memref<1x1xf32, #tpu.memory_space<vmem>>, vector<1x1xf32>
    %get3A_38 = arith.constant 0 : index
    %get3A_39 = arith.constant 0 : index
    %get3A_40 = vector.load %arg12[%get3A_38, %get3A_39] : memref<32x32xf32, #tpu.memory_space<vmem>>, vector<32x32xf32>
    %get3A_41 = arith.constant 0 : index
    %get3A_42 = arith.constant 0 : index
    %get3A_43 = vector.load %arg13[%get3A_41, %get3A_42] : memref<32x32xf32, #tpu.memory_space<vmem>>, vector<32x32xf32>
    %get3A_44 = arith.constant 0 : index
    %get3A_45 = arith.constant 0 : index
    %get3A_46 = vector.load %arg14[%get3A_44, %get3A_45] : memref<32x32xf32, #tpu.memory_space<vmem>>, vector<32x32xf32>
    %get3A_47 = arith.constant 0 : index
    %get3A_48 = arith.constant 0 : index
    %get3A_49 = vector.load %arg15[%get3A_47, %get3A_48] : memref<1x1xf32, #tpu.memory_space<vmem>>, vector<1x1xf32>
    %get3A_50 = arith.constant 0 : index
    %get3A_51 = arith.constant 0 : index
    %get3A_52 = vector.load %arg16[%get3A_50, %get3A_51] : memref<1x32xf32, #tpu.memory_space<vmem>>, vector<1x32xf32>
    %get3A_53 = arith.constant 0 : index
    %get3A_54 = arith.constant 0 : index
    %get3A_55 = vector.load %arg17[%get3A_53, %get3A_54] : memref<1x32xf32, #tpu.memory_space<vmem>>, vector<1x32xf32>
    %get3A_56 = arith.constant 0 : index
    %get3A_57 = arith.constant 0 : index
    %get3A_58 = vector.load %arg18[%get3A_56, %get3A_57] : memref<1x32xf32, #tpu.memory_space<vmem>>, vector<1x32xf32>
    %get3A_59 = arith.constant 0 : index
    %get3A_60 = arith.constant 0 : index
    %get3A_61 = vector.load %arg19[%get3A_59, %get3A_60] : memref<1x1xf32, #tpu.memory_space<vmem>>, vector<1x1xf32>
    %dot_general3A = arith.constant dense<0.000000e+00> : vector<200x32xf32>
    %dot_general3A_62 = tpu.matmul %get3A_8, %get3A_16, %dot_general3A {dimension_numbers = #tpu.dot_dimension_numbers<[1], [0], [0], [1], [0, 0, 1, 1], [], []>, precision = #tpu.contract_precision<fp32>, transpose_lhs_hint = false} : vector<200x128xf32>, vector<128x32xf32>, vector<200x32xf32> -> vector<200x32xf32>
    %convert_element_type3A = arith.truncf %get3A_3 : vector<200x200xf32> to vector<200x200xbf16>
    %convert_element_type3A_63 = arith.extf %convert_element_type3A : vector<200x200xbf16> to vector<200x200xf32>
    %sub3A = arith.subf %get3A_3, %convert_element_type3A_63 : vector<200x200xf32>
    %convert_element_type3A_64 = arith.truncf %dot_general3A_62 : vector<200x32xf32> to vector<200x32xbf16>
    %convert_element_type3A_65 = arith.extf %convert_element_type3A_64 : vector<200x32xbf16> to vector<200x32xf32>
    %sub3A_66 = arith.subf %dot_general3A_62, %convert_element_type3A_65 : vector<200x32xf32>
    %dot_general3A_67 = arith.constant dense<0.000000e+00> : vector<200x32xf32>
    %dot_general3A_68 = tpu.matmul %convert_element_type3A_63, %convert_element_type3A_65, %dot_general3A_67 {dimension_numbers = #tpu.dot_dimension_numbers<[1], [0], [0], [1], [0, 0, 1, 1], [], []>, transpose_lhs_hint = false} : vector<200x200xf32>, vector<200x32xf32>, vector<200x32xf32> -> vector<200x32xf32>
    %dot_general3A_69 = arith.constant dense<0.000000e+00> : vector<200x32xf32>
    %dot_general3A_70 = tpu.matmul %convert_element_type3A_63, %sub3A_66, %dot_general3A_69 {dimension_numbers = #tpu.dot_dimension_numbers<[1], [0], [0], [1], [0, 0, 1, 1], [], []>, transpose_lhs_hint = false} : vector<200x200xf32>, vector<200x32xf32>, vector<200x32xf32> -> vector<200x32xf32>
    %add3A = arith.addf %dot_general3A_68, %dot_general3A_70 : vector<200x32xf32>
    %dot_general3A_71 = arith.constant dense<0.000000e+00> : vector<200x32xf32>
    %dot_general3A_72 = tpu.matmul %sub3A, %convert_element_type3A_65, %dot_general3A_71 {dimension_numbers = #tpu.dot_dimension_numbers<[1], [0], [0], [1], [0, 0, 1, 1], [], []>, transpose_lhs_hint = false} : vector<200x200xf32>, vector<200x32xf32>, vector<200x32xf32> -> vector<200x32xf32>
    %add3A_73 = arith.addf %add3A, %dot_general3A_72 : vector<200x32xf32>
    %add3A_74 = vector.broadcast %get3A_28 : vector<1x32xf32> to vector<200x32xf32>
    %add3A_75 = arith.addf %add3A_73, %add3A_74 : vector<200x32xf32>
    %tanh3A = math.tanh %add3A_75 : vector<200x32xf32>
    %dot_general3A_76 = arith.constant dense<0.000000e+00> : vector<200x32xf32>
    %dot_general3A_77 = tpu.matmul %tanh3A, %get3A_40, %dot_general3A_76 {dimension_numbers = #tpu.dot_dimension_numbers<[1], [0], [0], [1], [0, 0, 1, 1], [], []>, precision = #tpu.contract_precision<fp32>, transpose_lhs_hint = false} : vector<200x32xf32>, vector<32x32xf32>, vector<200x32xf32> -> vector<200x32xf32>
    %convert_element_type3A_78 = arith.truncf %get3A_3 : vector<200x200xf32> to vector<200x200xbf16>
    %convert_element_type3A_79 = arith.extf %convert_element_type3A_78 : vector<200x200xbf16> to vector<200x200xf32>
    %sub3A_80 = arith.subf %get3A_3, %convert_element_type3A_79 : vector<200x200xf32>
    %convert_element_type3A_81 = arith.truncf %dot_general3A_77 : vector<200x32xf32> to vector<200x32xbf16>
    %convert_element_type3A_82 = arith.extf %convert_element_type3A_81 : vector<200x32xbf16> to vector<200x32xf32>
    %sub3A_83 = arith.subf %dot_general3A_77, %convert_element_type3A_82 : vector<200x32xf32>
    %dot_general3A_84 = arith.constant dense<0.000000e+00> : vector<200x32xf32>
    %dot_general3A_85 = tpu.matmul %convert_element_type3A_79, %convert_element_type3A_82, %dot_general3A_84 {dimension_numbers = #tpu.dot_dimension_numbers<[0], [0], [1], [1], [0, 1, 1, 1], [], []>, transpose_lhs_hint = false} : vector<200x200xf32>, vector<200x32xf32>, vector<200x32xf32> -> vector<200x32xf32>
    %dot_general3A_86 = arith.constant dense<0.000000e+00> : vector<200x32xf32>
    %dot_general3A_87 = tpu.matmul %convert_element_type3A_79, %sub3A_83, %dot_general3A_86 {dimension_numbers = #tpu.dot_dimension_numbers<[0], [0], [1], [1], [0, 1, 1, 1], [], []>, transpose_lhs_hint = false} : vector<200x200xf32>, vector<200x32xf32>, vector<200x32xf32> -> vector<200x32xf32>
    %add3A_88 = arith.addf %dot_general3A_85, %dot_general3A_87 : vector<200x32xf32>
    %dot_general3A_89 = arith.constant dense<0.000000e+00> : vector<200x32xf32>
    %dot_general3A_90 = tpu.matmul %sub3A_80, %convert_element_type3A_82, %dot_general3A_89 {dimension_numbers = #tpu.dot_dimension_numbers<[0], [0], [1], [1], [0, 1, 1, 1], [], []>, transpose_lhs_hint = false} : vector<200x200xf32>, vector<200x32xf32>, vector<200x32xf32> -> vector<200x32xf32>
    %add3A_91 = arith.addf %add3A_88, %dot_general3A_90 : vector<200x32xf32>
    %add3A_92 = vector.broadcast %get3A_52 : vector<1x32xf32> to vector<200x32xf32>
    %add3A_93 = arith.addf %add3A_91, %add3A_92 : vector<200x32xf32>
    %div3A = vector.broadcast %get3A_13 : vector<200x1xf32> to vector<200x32xf32>
    %div3A_94 = arith.divf %add3A_93, %div3A : vector<200x32xf32>
    %tanh3A_95 = math.tanh %div3A_94 : vector<200x32xf32>
    %dot_general3A_96 = arith.constant dense<0.000000e+00> : vector<200x32xf32>
    %dot_general3A_97 = tpu.matmul %tanh3A_95, %get3A_19, %dot_general3A_96 {dimension_numbers = #tpu.dot_dimension_numbers<[1], [0], [0], [1], [0, 0, 1, 1], [], []>, precision = #tpu.contract_precision<fp32>, transpose_lhs_hint = false} : vector<200x32xf32>, vector<32x32xf32>, vector<200x32xf32> -> vector<200x32xf32>
    %convert_element_type3A_98 = arith.truncf %get3A_3 : vector<200x200xf32> to vector<200x200xbf16>
    %convert_element_type3A_99 = arith.extf %convert_element_type3A_98 : vector<200x200xbf16> to vector<200x200xf32>
    %sub3A_100 = arith.subf %get3A_3, %convert_element_type3A_99 : vector<200x200xf32>
    %convert_element_type3A_101 = arith.truncf %dot_general3A_97 : vector<200x32xf32> to vector<200x32xbf16>
    %convert_element_type3A_102 = arith.extf %convert_element_type3A_101 : vector<200x32xbf16> to vector<200x32xf32>
    %sub3A_103 = arith.subf %dot_general3A_97, %convert_element_type3A_102 : vector<200x32xf32>
    %dot_general3A_104 = arith.constant dense<0.000000e+00> : vector<200x32xf32>
    %dot_general3A_105 = tpu.matmul %convert_element_type3A_99, %convert_element_type3A_102, %dot_general3A_104 {dimension_numbers = #tpu.dot_dimension_numbers<[1], [0], [0], [1], [0, 0, 1, 1], [], []>, transpose_lhs_hint = false} : vector<200x200xf32>, vector<200x32xf32>, vector<200x32xf32> -> vector<200x32xf32>
    %dot_general3A_106 = arith.constant dense<0.000000e+00> : vector<200x32xf32>
    %dot_general3A_107 = tpu.matmul %convert_element_type3A_99, %sub3A_103, %dot_general3A_106 {dimension_numbers = #tpu.dot_dimension_numbers<[1], [0], [0], [1], [0, 0, 1, 1], [], []>, transpose_lhs_hint = false} : vector<200x200xf32>, vector<200x32xf32>, vector<200x32xf32> -> vector<200x32xf32>
    %add3A_108 = arith.addf %dot_general3A_105, %dot_general3A_107 : vector<200x32xf32>
    %dot_general3A_109 = arith.constant dense<0.000000e+00> : vector<200x32xf32>
    %dot_general3A_110 = tpu.matmul %sub3A_100, %convert_element_type3A_102, %dot_general3A_109 {dimension_numbers = #tpu.dot_dimension_numbers<[1], [0], [0], [1], [0, 0, 1, 1], [], []>, transpose_lhs_hint = false} : vector<200x200xf32>, vector<200x32xf32>, vector<200x32xf32> -> vector<200x32xf32>
    %add3A_111 = arith.addf %add3A_108, %dot_general3A_110 : vector<200x32xf32>
    %add3A_112 = vector.broadcast %get3A_31 : vector<1x32xf32> to vector<200x32xf32>
    %add3A_113 = arith.addf %add3A_111, %add3A_112 : vector<200x32xf32>
    %tanh3A_114 = math.tanh %add3A_113 : vector<200x32xf32>
    %dot_general3A_115 = arith.constant dense<0.000000e+00> : vector<200x32xf32>
    %dot_general3A_116 = tpu.matmul %tanh3A_114, %get3A_43, %dot_general3A_115 {dimension_numbers = #tpu.dot_dimension_numbers<[1], [0], [0], [1], [0, 0, 1, 1], [], []>, precision = #tpu.contract_precision<fp32>, transpose_lhs_hint = false} : vector<200x32xf32>, vector<32x32xf32>, vector<200x32xf32> -> vector<200x32xf32>
    %convert_element_type3A_117 = arith.truncf %get3A_3 : vector<200x200xf32> to vector<200x200xbf16>
    %convert_element_type3A_118 = arith.extf %convert_element_type3A_117 : vector<200x200xbf16> to vector<200x200xf32>
    %sub3A_119 = arith.subf %get3A_3, %convert_element_type3A_118 : vector<200x200xf32>
    %convert_element_type3A_120 = arith.truncf %dot_general3A_116 : vector<200x32xf32> to vector<200x32xbf16>
    %convert_element_type3A_121 = arith.extf %convert_element_type3A_120 : vector<200x32xbf16> to vector<200x32xf32>
    %sub3A_122 = arith.subf %dot_general3A_116, %convert_element_type3A_121 : vector<200x32xf32>
    %dot_general3A_123 = arith.constant dense<0.000000e+00> : vector<200x32xf32>
    %dot_general3A_124 = tpu.matmul %convert_element_type3A_118, %convert_element_type3A_121, %dot_general3A_123 {dimension_numbers = #tpu.dot_dimension_numbers<[0], [0], [1], [1], [0, 1, 1, 1], [], []>, transpose_lhs_hint = false} : vector<200x200xf32>, vector<200x32xf32>, vector<200x32xf32> -> vector<200x32xf32>
    %dot_general3A_125 = arith.constant dense<0.000000e+00> : vector<200x32xf32>
    %dot_general3A_126 = tpu.matmul %convert_element_type3A_118, %sub3A_122, %dot_general3A_125 {dimension_numbers = #tpu.dot_dimension_numbers<[0], [0], [1], [1], [0, 1, 1, 1], [], []>, transpose_lhs_hint = false} : vector<200x200xf32>, vector<200x32xf32>, vector<200x32xf32> -> vector<200x32xf32>
    %add3A_127 = arith.addf %dot_general3A_124, %dot_general3A_126 : vector<200x32xf32>
    %dot_general3A_128 = arith.constant dense<0.000000e+00> : vector<200x32xf32>
    %dot_general3A_129 = tpu.matmul %sub3A_119, %convert_element_type3A_121, %dot_general3A_128 {dimension_numbers = #tpu.dot_dimension_numbers<[0], [0], [1], [1], [0, 1, 1, 1], [], []>, transpose_lhs_hint = false} : vector<200x200xf32>, vector<200x32xf32>, vector<200x32xf32> -> vector<200x32xf32>
    %add3A_130 = arith.addf %add3A_127, %dot_general3A_129 : vector<200x32xf32>
    %add3A_131 = vector.broadcast %get3A_55 : vector<1x32xf32> to vector<200x32xf32>
    %add3A_132 = arith.addf %add3A_130, %add3A_131 : vector<200x32xf32>
    %div3A_133 = vector.broadcast %get3A_13 : vector<200x1xf32> to vector<200x32xf32>
    %div3A_134 = arith.divf %add3A_132, %div3A_133 : vector<200x32xf32>
    %tanh3A_135 = math.tanh %div3A_134 : vector<200x32xf32>
    %dot_general3A_136 = arith.constant dense<0.000000e+00> : vector<200x32xf32>
    %dot_general3A_137 = tpu.matmul %tanh3A_135, %get3A_22, %dot_general3A_136 {dimension_numbers = #tpu.dot_dimension_numbers<[1], [0], [0], [1], [0, 0, 1, 1], [], []>, precision = #tpu.contract_precision<fp32>, transpose_lhs_hint = false} : vector<200x32xf32>, vector<32x32xf32>, vector<200x32xf32> -> vector<200x32xf32>
    %convert_element_type3A_138 = arith.truncf %get3A_3 : vector<200x200xf32> to vector<200x200xbf16>
    %convert_element_type3A_139 = arith.extf %convert_element_type3A_138 : vector<200x200xbf16> to vector<200x200xf32>
    %sub3A_140 = arith.subf %get3A_3, %convert_element_type3A_139 : vector<200x200xf32>
    %convert_element_type3A_141 = arith.truncf %dot_general3A_137 : vector<200x32xf32> to vector<200x32xbf16>
    %convert_element_type3A_142 = arith.extf %convert_element_type3A_141 : vector<200x32xbf16> to vector<200x32xf32>
    %sub3A_143 = arith.subf %dot_general3A_137, %convert_element_type3A_142 : vector<200x32xf32>
    %dot_general3A_144 = arith.constant dense<0.000000e+00> : vector<200x32xf32>
    %dot_general3A_145 = tpu.matmul %convert_element_type3A_139, %convert_element_type3A_142, %dot_general3A_144 {dimension_numbers = #tpu.dot_dimension_numbers<[1], [0], [0], [1], [0, 0, 1, 1], [], []>, transpose_lhs_hint = false} : vector<200x200xf32>, vector<200x32xf32>, vector<200x32xf32> -> vector<200x32xf32>
    %dot_general3A_146 = arith.constant dense<0.000000e+00> : vector<200x32xf32>
    %dot_general3A_147 = tpu.matmul %convert_element_type3A_139, %sub3A_143, %dot_general3A_146 {dimension_numbers = #tpu.dot_dimension_numbers<[1], [0], [0], [1], [0, 0, 1, 1], [], []>, transpose_lhs_hint = false} : vector<200x200xf32>, vector<200x32xf32>, vector<200x32xf32> -> vector<200x32xf32>
    %add3A_148 = arith.addf %dot_general3A_145, %dot_general3A_147 : vector<200x32xf32>
    %dot_general3A_149 = arith.constant dense<0.000000e+00> : vector<200x32xf32>
    %dot_general3A_150 = tpu.matmul %sub3A_140, %convert_element_type3A_142, %dot_general3A_149 {dimension_numbers = #tpu.dot_dimension_numbers<[1], [0], [0], [1], [0, 0, 1, 1], [], []>, transpose_lhs_hint = false} : vector<200x200xf32>, vector<200x32xf32>, vector<200x32xf32> -> vector<200x32xf32>
    %add3A_151 = arith.addf %add3A_148, %dot_general3A_150 : vector<200x32xf32>
    %add3A_152 = vector.broadcast %get3A_34 : vector<1x32xf32> to vector<200x32xf32>
    %add3A_153 = arith.addf %add3A_151, %add3A_152 : vector<200x32xf32>
    %tanh3A_154 = math.tanh %add3A_153 : vector<200x32xf32>
    %dot_general3A_155 = arith.constant dense<0.000000e+00> : vector<200x32xf32>
    %dot_general3A_156 = tpu.matmul %tanh3A_154, %get3A_46, %dot_general3A_155 {dimension_numbers = #tpu.dot_dimension_numbers<[1], [0], [0], [1], [0, 0, 1, 1], [], []>, precision = #tpu.contract_precision<fp32>, transpose_lhs_hint = false} : vector<200x32xf32>, vector<32x32xf32>, vector<200x32xf32> -> vector<200x32xf32>
    %convert_element_type3A_157 = arith.truncf %get3A_3 : vector<200x200xf32> to vector<200x200xbf16>
    %convert_element_type3A_158 = arith.extf %convert_element_type3A_157 : vector<200x200xbf16> to vector<200x200xf32>
    %sub3A_159 = arith.subf %get3A_3, %convert_element_type3A_158 : vector<200x200xf32>
    %convert_element_type3A_160 = arith.truncf %dot_general3A_156 : vector<200x32xf32> to vector<200x32xbf16>
    %convert_element_type3A_161 = arith.extf %convert_element_type3A_160 : vector<200x32xbf16> to vector<200x32xf32>
    %sub3A_162 = arith.subf %dot_general3A_156, %convert_element_type3A_161 : vector<200x32xf32>
    %dot_general3A_163 = arith.constant dense<0.000000e+00> : vector<200x32xf32>
    %dot_general3A_164 = tpu.matmul %convert_element_type3A_158, %convert_element_type3A_161, %dot_general3A_163 {dimension_numbers = #tpu.dot_dimension_numbers<[0], [0], [1], [1], [0, 1, 1, 1], [], []>, transpose_lhs_hint = false} : vector<200x200xf32>, vector<200x32xf32>, vector<200x32xf32> -> vector<200x32xf32>
    %dot_general3A_165 = arith.constant dense<0.000000e+00> : vector<200x32xf32>
    %dot_general3A_166 = tpu.matmul %convert_element_type3A_158, %sub3A_162, %dot_general3A_165 {dimension_numbers = #tpu.dot_dimension_numbers<[0], [0], [1], [1], [0, 1, 1, 1], [], []>, transpose_lhs_hint = false} : vector<200x200xf32>, vector<200x32xf32>, vector<200x32xf32> -> vector<200x32xf32>
    %add3A_167 = arith.addf %dot_general3A_164, %dot_general3A_166 : vector<200x32xf32>
    %dot_general3A_168 = arith.constant dense<0.000000e+00> : vector<200x32xf32>
    %dot_general3A_169 = tpu.matmul %sub3A_159, %convert_element_type3A_161, %dot_general3A_168 {dimension_numbers = #tpu.dot_dimension_numbers<[0], [0], [1], [1], [0, 1, 1, 1], [], []>, transpose_lhs_hint = false} : vector<200x200xf32>, vector<200x32xf32>, vector<200x32xf32> -> vector<200x32xf32>
    %add3A_170 = arith.addf %add3A_167, %dot_general3A_169 : vector<200x32xf32>
    %add3A_171 = vector.broadcast %get3A_58 : vector<1x32xf32> to vector<200x32xf32>
    %add3A_172 = arith.addf %add3A_170, %add3A_171 : vector<200x32xf32>
    %div3A_173 = vector.broadcast %get3A_13 : vector<200x1xf32> to vector<200x32xf32>
    %div3A_174 = arith.divf %add3A_172, %div3A_173 : vector<200x32xf32>
    %tanh3A_175 = math.tanh %div3A_174 : vector<200x32xf32>
    %dot_general3A_176 = arith.constant dense<0.000000e+00> : vector<200x1xf32>
    %dot_general3A_177 = tpu.matmul %tanh3A_175, %get3A_25, %dot_general3A_176 {dimension_numbers = #tpu.dot_dimension_numbers<[1], [0], [0], [1], [0, 0, 1, 1], [], []>, precision = #tpu.contract_precision<fp32>, transpose_lhs_hint = false} : vector<200x32xf32>, vector<32x1xf32>, vector<200x1xf32> -> vector<200x1xf32>
    %convert_element_type3A_178 = arith.truncf %get3A_3 : vector<200x200xf32> to vector<200x200xbf16>
    %convert_element_type3A_179 = arith.extf %convert_element_type3A_178 : vector<200x200xbf16> to vector<200x200xf32>
    %sub3A_180 = arith.subf %get3A_3, %convert_element_type3A_179 : vector<200x200xf32>
    %convert_element_type3A_181 = arith.truncf %dot_general3A_177 : vector<200x1xf32> to vector<200x1xbf16>
    %convert_element_type3A_182 = arith.extf %convert_element_type3A_181 : vector<200x1xbf16> to vector<200x1xf32>
    %sub3A_183 = arith.subf %dot_general3A_177, %convert_element_type3A_182 : vector<200x1xf32>
    %dot_general3A_184 = arith.constant dense<0.000000e+00> : vector<200x1xf32>
    %dot_general3A_185 = tpu.matmul %convert_element_type3A_179, %convert_element_type3A_182, %dot_general3A_184 {dimension_numbers = #tpu.dot_dimension_numbers<[1], [0], [0], [1], [0, 0, 1, 1], [], []>, transpose_lhs_hint = false} : vector<200x200xf32>, vector<200x1xf32>, vector<200x1xf32> -> vector<200x1xf32>
    %dot_general3A_186 = arith.constant dense<0.000000e+00> : vector<200x1xf32>
    %dot_general3A_187 = tpu.matmul %convert_element_type3A_179, %sub3A_183, %dot_general3A_186 {dimension_numbers = #tpu.dot_dimension_numbers<[1], [0], [0], [1], [0, 0, 1, 1], [], []>, transpose_lhs_hint = false} : vector<200x200xf32>, vector<200x1xf32>, vector<200x1xf32> -> vector<200x1xf32>
    %add3A_188 = arith.addf %dot_general3A_185, %dot_general3A_187 : vector<200x1xf32>
    %dot_general3A_189 = arith.constant dense<0.000000e+00> : vector<200x1xf32>
    %dot_general3A_190 = tpu.matmul %sub3A_180, %convert_element_type3A_182, %dot_general3A_189 {dimension_numbers = #tpu.dot_dimension_numbers<[1], [0], [0], [1], [0, 0, 1, 1], [], []>, transpose_lhs_hint = false} : vector<200x200xf32>, vector<200x1xf32>, vector<200x1xf32> -> vector<200x1xf32>
    %add3A_191 = arith.addf %add3A_188, %dot_general3A_190 : vector<200x1xf32>
    %add3A_192 = vector.broadcast %get3A_37 : vector<1x1xf32> to vector<200x1xf32>
    %add3A_193 = arith.addf %add3A_191, %add3A_192 : vector<200x1xf32>
    %tanh3A_194 = math.tanh %add3A_193 : vector<200x1xf32>
    %squeeze3A = vector.extract %get3A_49[0, 0] : f32 from vector<1x1xf32>
    %mul3A = vector.broadcast %squeeze3A : f32 to vector<200x1xf32>
    %mul3A_195 = arith.mulf %tanh3A_194, %mul3A : vector<200x1xf32>
    %convert_element_type3A_196 = arith.truncf %get3A_3 : vector<200x200xf32> to vector<200x200xbf16>
    %convert_element_type3A_197 = arith.extf %convert_element_type3A_196 : vector<200x200xbf16> to vector<200x200xf32>
    %sub3A_198 = arith.subf %get3A_3, %convert_element_type3A_197 : vector<200x200xf32>
    %convert_element_type3A_199 = arith.truncf %mul3A_195 : vector<200x1xf32> to vector<200x1xbf16>
    %convert_element_type3A_200 = arith.extf %convert_element_type3A_199 : vector<200x1xbf16> to vector<200x1xf32>
    %sub3A_201 = arith.subf %mul3A_195, %convert_element_type3A_200 : vector<200x1xf32>
    %dot_general3A_202 = arith.constant dense<0.000000e+00> : vector<200x1xf32>
    %dot_general3A_203 = tpu.matmul %convert_element_type3A_197, %convert_element_type3A_200, %dot_general3A_202 {dimension_numbers = #tpu.dot_dimension_numbers<[0], [0], [1], [1], [0, 1, 1, 1], [], []>, transpose_lhs_hint = false} : vector<200x200xf32>, vector<200x1xf32>, vector<200x1xf32> -> vector<200x1xf32>
    %dot_general3A_204 = arith.constant dense<0.000000e+00> : vector<200x1xf32>
    %dot_general3A_205 = tpu.matmul %convert_element_type3A_197, %sub3A_201, %dot_general3A_204 {dimension_numbers = #tpu.dot_dimension_numbers<[0], [0], [1], [1], [0, 1, 1, 1], [], []>, transpose_lhs_hint = false} : vector<200x200xf32>, vector<200x1xf32>, vector<200x1xf32> -> vector<200x1xf32>
    %add3A_206 = arith.addf %dot_general3A_203, %dot_general3A_205 : vector<200x1xf32>
    %dot_general3A_207 = arith.constant dense<0.000000e+00> : vector<200x1xf32>
    %dot_general3A_208 = tpu.matmul %sub3A_198, %convert_element_type3A_200, %dot_general3A_207 {dimension_numbers = #tpu.dot_dimension_numbers<[0], [0], [1], [1], [0, 1, 1, 1], [], []>, transpose_lhs_hint = false} : vector<200x200xf32>, vector<200x1xf32>, vector<200x1xf32> -> vector<200x1xf32>
    %add3A_209 = arith.addf %add3A_206, %dot_general3A_208 : vector<200x1xf32>
    %add3A_210 = vector.broadcast %get3A_61 : vector<1x1xf32> to vector<200x1xf32>
    %add3A_211 = arith.addf %add3A_209, %add3A_210 : vector<200x1xf32>
    %div3A_212 = arith.divf %add3A_211, %get3A_13 : vector<200x1xf32>
    %tanh3A_213 = math.tanh %div3A_212 : vector<200x1xf32>
    %iota3A = tpu.iota {dimensions = array<i32: 0>} : vector<200x200xi32>
    %iota3A_214 = tpu.iota {dimensions = array<i32: 1>} : vector<200x200xi32>
    %eq3A = arith.cmpi eq, %iota3A, %iota3A_214 : vector<200x200xi32>
    %convert_element_type3A_215 = arith.extui %eq3A : vector<200x200xi1> to vector<200x200xi32>
    %convert_element_type3A_216 = arith.sitofp %convert_element_type3A_215 : vector<200x200xi32> to vector<200x200xf32>
    %dot_general3A_217 = arith.constant dense<0.000000e+00> : vector<1x200xf32>
    %dot_general3A_218 = tpu.matmul %tanh3A_213, %convert_element_type3A_216, %dot_general3A_217 {dimension_numbers = #tpu.dot_dimension_numbers<[0], [0], [1], [1], [0, 1, 1, 1], [], []>, precision = #tpu.contract_precision<fp32>, transpose_lhs_hint = false} : vector<200x1xf32>, vector<200x200xf32>, vector<1x200xf32> -> vector<1x200xf32>
    %gt3A = vector.broadcast %dot_general3A_218 : vector<1x200xf32> to vector<200x200xf32>
    %gt3A_219 = vector.broadcast %tanh3A_213 : vector<200x1xf32> to vector<200x200xf32>
    %gt3A_220 = arith.cmpf ogt, %gt3A, %gt3A_219 : vector<200x200xf32>
    %eq3A_221 = vector.broadcast %dot_general3A_218 : vector<1x200xf32> to vector<200x200xf32>
    %eq3A_222 = vector.broadcast %tanh3A_213 : vector<200x1xf32> to vector<200x200xf32>
    %eq3A_223 = arith.cmpf oeq, %eq3A_221, %eq3A_222 : vector<200x200xf32>
    %lt3A = arith.cmpi slt, %iota3A_214, %iota3A : vector<200x200xi32>
    %and3A = arith.andi %eq3A_223, %lt3A : vector<200x200xi1>
    %or3A = arith.ori %gt3A_220, %and3A : vector<200x200xi1>
    %convert_element_type3A_224 = arith.extui %or3A : vector<200x200xi1> to vector<200x200xi32>
    %convert_element_type3A_225 = arith.sitofp %convert_element_type3A_224 : vector<200x200xi32> to vector<200x200xf32>
    %reduce_sum3A = arith.constant dense<0.000000e+00> : vector<200xf32>
    %reduce_sum3A_226 = vector.multi_reduction <add>, %convert_element_type3A_225, %reduce_sum3A [1] : vector<200x200xf32> to vector<200xf32>
    %broadcast_in_dim3A = vector.shape_cast %reduce_sum3A_226 : vector<200xf32> to vector<200x1xf32>
    %iota3A_227 = tpu.iota {dimensions = array<i32: 1>} : vector<200x30xi32>
    %convert_element_type3A_228 = arith.sitofp %iota3A_227 : vector<200x30xi32> to vector<200x30xf32>
    %eq3A_229 = vector.broadcast %broadcast_in_dim3A : vector<200x1xf32> to vector<200x30xf32>
    %eq3A_230 = arith.cmpf oeq, %eq3A_229, %convert_element_type3A_228 : vector<200x30xf32>
    %convert_element_type3A_231 = arith.extui %eq3A_230 : vector<200x30xi1> to vector<200x30xi32>
    %convert_element_type3A_232 = arith.sitofp %convert_element_type3A_231 : vector<200x30xi32> to vector<200x30xf32>
    %get3A_233 = arith.constant 0 : index
    %get3A_234 = arith.constant 0 : index
    %get3A_235 = vector.load %arg20[%get3A_233, %get3A_234] : memref<97x16xf32, #tpu.memory_space<vmem>>, vector<97x16xf32>
    %dot_general3A_236 = arith.constant dense<0.000000e+00> : vector<30x32xf32>
    %dot_general3A_237 = tpu.matmul %convert_element_type3A_232, %tanh3A_95, %dot_general3A_236 {dimension_numbers = #tpu.dot_dimension_numbers<[0], [0], [1], [1], [0, 1, 1, 1], [], []>, precision = #tpu.contract_precision<fp32>, transpose_lhs_hint = false} : vector<200x30xf32>, vector<200x32xf32>, vector<30x32xf32> -> vector<30x32xf32>
    %slice3A = vector.extract_strided_slice %get3A_235 {offsets = [0, 0], sizes = [32, 16], strides = [1, 1]} : vector<97x16xf32> to vector<32x16xf32>
    %dot_general3A_238 = arith.constant dense<0.000000e+00> : vector<30x16xf32>
    %dot_general3A_239 = tpu.matmul %dot_general3A_237, %slice3A, %dot_general3A_238 {dimension_numbers = #tpu.dot_dimension_numbers<[1], [0], [0], [1], [0, 0, 1, 1], [], []>, precision = #tpu.contract_precision<fp32>, transpose_lhs_hint = false} : vector<30x32xf32>, vector<32x16xf32>, vector<30x16xf32> -> vector<30x16xf32>
    %dot_general3A_240 = arith.constant dense<0.000000e+00> : vector<30x32xf32>
    %dot_general3A_241 = tpu.matmul %convert_element_type3A_232, %tanh3A_135, %dot_general3A_240 {dimension_numbers = #tpu.dot_dimension_numbers<[0], [0], [1], [1], [0, 1, 1, 1], [], []>, precision = #tpu.contract_precision<fp32>, transpose_lhs_hint = false} : vector<200x30xf32>, vector<200x32xf32>, vector<30x32xf32> -> vector<30x32xf32>
    %slice3A_242 = vector.extract_strided_slice %get3A_235 {offsets = [32, 0], sizes = [32, 16], strides = [1, 1]} : vector<97x16xf32> to vector<32x16xf32>
    %dot_general3A_243 = arith.constant dense<0.000000e+00> : vector<30x16xf32>
    %dot_general3A_244 = tpu.matmul %dot_general3A_241, %slice3A_242, %dot_general3A_243 {dimension_numbers = #tpu.dot_dimension_numbers<[1], [0], [0], [1], [0, 0, 1, 1], [], []>, precision = #tpu.contract_precision<fp32>, transpose_lhs_hint = false} : vector<30x32xf32>, vector<32x16xf32>, vector<30x16xf32> -> vector<30x16xf32>
    %add3A_245 = arith.addf %dot_general3A_239, %dot_general3A_244 : vector<30x16xf32>
    %dot_general3A_246 = arith.constant dense<0.000000e+00> : vector<30x32xf32>
    %dot_general3A_247 = tpu.matmul %convert_element_type3A_232, %tanh3A_175, %dot_general3A_246 {dimension_numbers = #tpu.dot_dimension_numbers<[0], [0], [1], [1], [0, 1, 1, 1], [], []>, precision = #tpu.contract_precision<fp32>, transpose_lhs_hint = false} : vector<200x30xf32>, vector<200x32xf32>, vector<30x32xf32> -> vector<30x32xf32>
    %slice3A_248 = vector.extract_strided_slice %get3A_235 {offsets = [64, 0], sizes = [32, 16], strides = [1, 1]} : vector<97x16xf32> to vector<32x16xf32>
    %dot_general3A_249 = arith.constant dense<0.000000e+00> : vector<30x16xf32>
    %dot_general3A_250 = tpu.matmul %dot_general3A_247, %slice3A_248, %dot_general3A_249 {dimension_numbers = #tpu.dot_dimension_numbers<[1], [0], [0], [1], [0, 0, 1, 1], [], []>, precision = #tpu.contract_precision<fp32>, transpose_lhs_hint = false} : vector<30x32xf32>, vector<32x16xf32>, vector<30x16xf32> -> vector<30x16xf32>
    %add3A_251 = arith.addf %add3A_245, %dot_general3A_250 : vector<30x16xf32>
    %dot_general3A_252 = arith.constant dense<0.000000e+00> : vector<30x1xf32>
    %dot_general3A_253 = tpu.matmul %convert_element_type3A_232, %tanh3A_213, %dot_general3A_252 {dimension_numbers = #tpu.dot_dimension_numbers<[0], [0], [1], [1], [0, 1, 1, 1], [], []>, precision = #tpu.contract_precision<fp32>, transpose_lhs_hint = false} : vector<200x30xf32>, vector<200x1xf32>, vector<30x1xf32> -> vector<30x1xf32>
    %slice3A_254 = vector.extract_strided_slice %get3A_235 {offsets = [96, 0], sizes = [1, 16], strides = [1, 1]} : vector<97x16xf32> to vector<1x16xf32>
    %mul3A_255 = vector.broadcast %dot_general3A_253 : vector<30x1xf32> to vector<30x16xf32>
    %mul3A_256 = vector.broadcast %slice3A_254 : vector<1x16xf32> to vector<30x16xf32>
    %mul3A_257 = arith.mulf %mul3A_255, %mul3A_256 : vector<30x16xf32>
    %add3A_258 = arith.addf %add3A_251, %mul3A_257 : vector<30x16xf32>
    %get3A_259 = arith.constant 0 : index
    %get3A_260 = arith.constant 0 : index
    %get3A_261 = vector.load %arg21[%get3A_259, %get3A_260] : memref<1x16xf32, #tpu.memory_space<vmem>>, vector<1x16xf32>
    %add3A_262 = vector.broadcast %get3A_261 : vector<1x16xf32> to vector<30x16xf32>
    %add3A_263 = arith.addf %add3A_258, %add3A_262 : vector<30x16xf32>
    %max3A = arith.constant 0.000000e+00 : f32
    %max3A_264 = vector.broadcast %max3A : f32 to vector<30x16xf32>
    %max3A_265 = arith.maximumf %add3A_263, %max3A_264 : vector<30x16xf32>
    %iota3A_266 = tpu.iota {dimensions = array<i32: 0>} : vector<15x30xi32>
    %iota3A_267 = tpu.iota {dimensions = array<i32: 1>} : vector<15x30xi32>
    %mul3A_268 = arith.constant 2 : i32
    %mul3A_269 = vector.broadcast %mul3A_268 : i32 to vector<15x30xi32>
    %mul3A_270 = arith.muli %mul3A_269, %iota3A_266 : vector<15x30xi32>
    %eq3A_271 = arith.cmpi eq, %iota3A_267, %mul3A_270 : vector<15x30xi32>
    %convert_element_type3A_272 = arith.extui %eq3A_271 : vector<15x30xi1> to vector<15x30xi32>
    %convert_element_type3A_273 = arith.sitofp %convert_element_type3A_272 : vector<15x30xi32> to vector<15x30xf32>
    %mul3A_274 = arith.constant 2 : i32
    %mul3A_275 = vector.broadcast %mul3A_274 : i32 to vector<15x30xi32>
    %mul3A_276 = arith.muli %mul3A_275, %iota3A_266 : vector<15x30xi32>
    %add3A_277 = arith.constant 1 : i32
    %add3A_278 = vector.broadcast %add3A_277 : i32 to vector<15x30xi32>
    %add3A_279 = arith.addi %mul3A_276, %add3A_278 : vector<15x30xi32>
    %eq3A_280 = arith.cmpi eq, %iota3A_267, %add3A_279 : vector<15x30xi32>
    %convert_element_type3A_281 = arith.extui %eq3A_280 : vector<15x30xi1> to vector<15x30xi32>
    %convert_element_type3A_282 = arith.sitofp %convert_element_type3A_281 : vector<15x30xi32> to vector<15x30xf32>
    %dot_general3A_283 = arith.constant dense<0.000000e+00> : vector<15x16xf32>
    %dot_general3A_284 = tpu.matmul %convert_element_type3A_273, %max3A_265, %dot_general3A_283 {dimension_numbers = #tpu.dot_dimension_numbers<[1], [0], [0], [1], [0, 0, 1, 1], [], []>, precision = #tpu.contract_precision<fp32>, transpose_lhs_hint = false} : vector<15x30xf32>, vector<30x16xf32>, vector<15x16xf32> -> vector<15x16xf32>
    %dot_general3A_285 = arith.constant dense<0.000000e+00> : vector<15x16xf32>
    %dot_general3A_286 = tpu.matmul %convert_element_type3A_282, %max3A_265, %dot_general3A_285 {dimension_numbers = #tpu.dot_dimension_numbers<[1], [0], [0], [1], [0, 0, 1, 1], [], []>, precision = #tpu.contract_precision<fp32>, transpose_lhs_hint = false} : vector<15x30xf32>, vector<30x16xf32>, vector<15x16xf32> -> vector<15x16xf32>
    %max3A_287 = arith.maximumf %dot_general3A_284, %dot_general3A_286 : vector<15x16xf32>
    %get3A_288 = arith.constant 0 : index
    %get3A_289 = arith.constant 0 : index
    %get3A_290 = arith.constant 0 : index
    %get3A_291 = vector.load %arg22[%get3A_288, %get3A_289, %get3A_290] : memref<5x16x32xf32, #tpu.memory_space<vmem>>, vector<5x16x32xf32>
    %broadcast_in_dim3A_292 = arith.constant 0.000000e+00 : f32
    %broadcast_in_dim3A_293 = vector.broadcast %broadcast_in_dim3A_292 : f32 to vector<11x32xf32>
    %get3A_294 = arith.constant 0 : index
    %get3A_295 = arith.constant 0 : index
    %get3A_296 = vector.load %arg23[%get3A_294, %get3A_295] : memref<1x32xf32, #tpu.memory_space<vmem>>, vector<1x32xf32>
    %add3A_297 = vector.broadcast %get3A_296 : vector<1x32xf32> to vector<11x32xf32>
    %add3A_298 = arith.addf %broadcast_in_dim3A_293, %add3A_297 : vector<11x32xf32>
    %slice3A_299 = vector.extract_strided_slice %max3A_287 {offsets = [0, 0], sizes = [11, 16], strides = [1, 1]} : vector<15x16xf32> to vector<11x16xf32>
    %slice3A_300 = vector.extract_strided_slice %get3A_291 {offsets = [0, 0, 0], sizes = [1, 16, 32], strides = [1, 1, 1]} : vector<5x16x32xf32> to vector<1x16x32xf32>
    %squeeze3A_301 = vector.shape_cast %slice3A_300 : vector<1x16x32xf32> to vector<16x32xf32>
    %dot_general3A_302 = arith.constant dense<0.000000e+00> : vector<11x32xf32>
    %dot_general3A_303 = tpu.matmul %slice3A_299, %squeeze3A_301, %dot_general3A_302 {dimension_numbers = #tpu.dot_dimension_numbers<[1], [0], [0], [1], [0, 0, 1, 1], [], []>, precision = #tpu.contract_precision<fp32>, transpose_lhs_hint = false} : vector<11x16xf32>, vector<16x32xf32>, vector<11x32xf32> -> vector<11x32xf32>
    %add3A_304 = arith.addf %add3A_298, %dot_general3A_303 : vector<11x32xf32>
    %slice3A_305 = vector.extract_strided_slice %max3A_287 {offsets = [1, 0], sizes = [11, 16], strides = [1, 1]} : vector<15x16xf32> to vector<11x16xf32>
    %slice3A_306 = vector.extract_strided_slice %get3A_291 {offsets = [1, 0, 0], sizes = [1, 16, 32], strides = [1, 1, 1]} : vector<5x16x32xf32> to vector<1x16x32xf32>
    %squeeze3A_307 = vector.shape_cast %slice3A_306 : vector<1x16x32xf32> to vector<16x32xf32>
    %dot_general3A_308 = arith.constant dense<0.000000e+00> : vector<11x32xf32>
    %dot_general3A_309 = tpu.matmul %slice3A_305, %squeeze3A_307, %dot_general3A_308 {dimension_numbers = #tpu.dot_dimension_numbers<[1], [0], [0], [1], [0, 0, 1, 1], [], []>, precision = #tpu.contract_precision<fp32>, transpose_lhs_hint = false} : vector<11x16xf32>, vector<16x32xf32>, vector<11x32xf32> -> vector<11x32xf32>
    %add3A_310 = arith.addf %add3A_304, %dot_general3A_309 : vector<11x32xf32>
    %slice3A_311 = vector.extract_strided_slice %max3A_287 {offsets = [2, 0], sizes = [11, 16], strides = [1, 1]} : vector<15x16xf32> to vector<11x16xf32>
    %slice3A_312 = vector.extract_strided_slice %get3A_291 {offsets = [2, 0, 0], sizes = [1, 16, 32], strides = [1, 1, 1]} : vector<5x16x32xf32> to vector<1x16x32xf32>
    %squeeze3A_313 = vector.shape_cast %slice3A_312 : vector<1x16x32xf32> to vector<16x32xf32>
    %dot_general3A_314 = arith.constant dense<0.000000e+00> : vector<11x32xf32>
    %dot_general3A_315 = tpu.matmul %slice3A_311, %squeeze3A_313, %dot_general3A_314 {dimension_numbers = #tpu.dot_dimension_numbers<[1], [0], [0], [1], [0, 0, 1, 1], [], []>, precision = #tpu.contract_precision<fp32>, transpose_lhs_hint = false} : vector<11x16xf32>, vector<16x32xf32>, vector<11x32xf32> -> vector<11x32xf32>
    %add3A_316 = arith.addf %add3A_310, %dot_general3A_315 : vector<11x32xf32>
    %slice3A_317 = vector.extract_strided_slice %max3A_287 {offsets = [3, 0], sizes = [11, 16], strides = [1, 1]} : vector<15x16xf32> to vector<11x16xf32>
    %slice3A_318 = vector.extract_strided_slice %get3A_291 {offsets = [3, 0, 0], sizes = [1, 16, 32], strides = [1, 1, 1]} : vector<5x16x32xf32> to vector<1x16x32xf32>
    %squeeze3A_319 = vector.shape_cast %slice3A_318 : vector<1x16x32xf32> to vector<16x32xf32>
    %dot_general3A_320 = arith.constant dense<0.000000e+00> : vector<11x32xf32>
    %dot_general3A_321 = tpu.matmul %slice3A_317, %squeeze3A_319, %dot_general3A_320 {dimension_numbers = #tpu.dot_dimension_numbers<[1], [0], [0], [1], [0, 0, 1, 1], [], []>, precision = #tpu.contract_precision<fp32>, transpose_lhs_hint = false} : vector<11x16xf32>, vector<16x32xf32>, vector<11x32xf32> -> vector<11x32xf32>
    %add3A_322 = arith.addf %add3A_316, %dot_general3A_321 : vector<11x32xf32>
    %slice3A_323 = vector.extract_strided_slice %max3A_287 {offsets = [4, 0], sizes = [11, 16], strides = [1, 1]} : vector<15x16xf32> to vector<11x16xf32>
    %slice3A_324 = vector.extract_strided_slice %get3A_291 {offsets = [4, 0, 0], sizes = [1, 16, 32], strides = [1, 1, 1]} : vector<5x16x32xf32> to vector<1x16x32xf32>
    %squeeze3A_325 = vector.shape_cast %slice3A_324 : vector<1x16x32xf32> to vector<16x32xf32>
    %dot_general3A_326 = arith.constant dense<0.000000e+00> : vector<11x32xf32>
    %dot_general3A_327 = tpu.matmul %slice3A_323, %squeeze3A_325, %dot_general3A_326 {dimension_numbers = #tpu.dot_dimension_numbers<[1], [0], [0], [1], [0, 0, 1, 1], [], []>, precision = #tpu.contract_precision<fp32>, transpose_lhs_hint = false} : vector<11x16xf32>, vector<16x32xf32>, vector<11x32xf32> -> vector<11x32xf32>
    %add3A_328 = arith.addf %add3A_322, %dot_general3A_327 : vector<11x32xf32>
    %max3A_329 = arith.constant 0.000000e+00 : f32
    %max3A_330 = vector.broadcast %max3A_329 : f32 to vector<11x32xf32>
    %max3A_331 = arith.maximumf %add3A_328, %max3A_330 : vector<11x32xf32>
    %get3A_332 = arith.constant 0 : index
    %get3A_333 = arith.constant 0 : index
    %get3A_334 = vector.load %arg24[%get3A_332, %get3A_333] : memref<352x128xf32, #tpu.memory_space<vmem>>, vector<352x128xf32>
    %broadcast_in_dim3A_335 = arith.constant 0.000000e+00 : f32
    %broadcast_in_dim3A_336 = vector.broadcast %broadcast_in_dim3A_335 : f32 to vector<1x128xf32>
    %get3A_337 = arith.constant 0 : index
    %get3A_338 = arith.constant 0 : index
    %get3A_339 = vector.load %arg25[%get3A_337, %get3A_338] : memref<1x128xf32, #tpu.memory_space<vmem>>, vector<1x128xf32>
    %add3A_340 = arith.addf %broadcast_in_dim3A_336, %get3A_339 : vector<1x128xf32>
    %slice3A_341 = vector.extract_strided_slice %max3A_331 {offsets = [0, 0], sizes = [1, 32], strides = [1, 1]} : vector<11x32xf32> to vector<1x32xf32>
    %slice3A_342 = vector.extract_strided_slice %get3A_334 {offsets = [0, 0], sizes = [32, 128], strides = [1, 1]} : vector<352x128xf32> to vector<32x128xf32>
    %dot_general3A_343 = arith.constant dense<0.000000e+00> : vector<1x128xf32>
    %dot_general3A_344 = tpu.matmul %slice3A_341, %slice3A_342, %dot_general3A_343 {dimension_numbers = #tpu.dot_dimension_numbers<[1], [0], [0], [1], [0, 0, 1, 1], [], []>, precision = #tpu.contract_precision<fp32>, transpose_lhs_hint = false} : vector<1x32xf32>, vector<32x128xf32>, vector<1x128xf32> -> vector<1x128xf32>
    %add3A_345 = arith.addf %add3A_340, %dot_general3A_344 : vector<1x128xf32>
    %slice3A_346 = vector.extract_strided_slice %max3A_331 {offsets = [1, 0], sizes = [1, 32], strides = [1, 1]} : vector<11x32xf32> to vector<1x32xf32>
    %slice3A_347 = vector.extract_strided_slice %get3A_334 {offsets = [32, 0], sizes = [32, 128], strides = [1, 1]} : vector<352x128xf32> to vector<32x128xf32>
    %dot_general3A_348 = arith.constant dense<0.000000e+00> : vector<1x128xf32>
    %dot_general3A_349 = tpu.matmul %slice3A_346, %slice3A_347, %dot_general3A_348 {dimension_numbers = #tpu.dot_dimension_numbers<[1], [0], [0], [1], [0, 0, 1, 1], [], []>, precision = #tpu.contract_precision<fp32>, transpose_lhs_hint = false} : vector<1x32xf32>, vector<32x128xf32>, vector<1x128xf32> -> vector<1x128xf32>
    %add3A_350 = arith.addf %add3A_345, %dot_general3A_349 : vector<1x128xf32>
    %slice3A_351 = vector.extract_strided_slice %max3A_331 {offsets = [2, 0], sizes = [1, 32], strides = [1, 1]} : vector<11x32xf32> to vector<1x32xf32>
    %slice3A_352 = vector.extract_strided_slice %get3A_334 {offsets = [64, 0], sizes = [32, 128], strides = [1, 1]} : vector<352x128xf32> to vector<32x128xf32>
    %dot_general3A_353 = arith.constant dense<0.000000e+00> : vector<1x128xf32>
    %dot_general3A_354 = tpu.matmul %slice3A_351, %slice3A_352, %dot_general3A_353 {dimension_numbers = #tpu.dot_dimension_numbers<[1], [0], [0], [1], [0, 0, 1, 1], [], []>, precision = #tpu.contract_precision<fp32>, transpose_lhs_hint = false} : vector<1x32xf32>, vector<32x128xf32>, vector<1x128xf32> -> vector<1x128xf32>
    %add3A_355 = arith.addf %add3A_350, %dot_general3A_354 : vector<1x128xf32>
    %slice3A_356 = vector.extract_strided_slice %max3A_331 {offsets = [3, 0], sizes = [1, 32], strides = [1, 1]} : vector<11x32xf32> to vector<1x32xf32>
    %slice3A_357 = vector.extract_strided_slice %get3A_334 {offsets = [96, 0], sizes = [32, 128], strides = [1, 1]} : vector<352x128xf32> to vector<32x128xf32>
    %dot_general3A_358 = arith.constant dense<0.000000e+00> : vector<1x128xf32>
    %dot_general3A_359 = tpu.matmul %slice3A_356, %slice3A_357, %dot_general3A_358 {dimension_numbers = #tpu.dot_dimension_numbers<[1], [0], [0], [1], [0, 0, 1, 1], [], []>, precision = #tpu.contract_precision<fp32>, transpose_lhs_hint = false} : vector<1x32xf32>, vector<32x128xf32>, vector<1x128xf32> -> vector<1x128xf32>
    %add3A_360 = arith.addf %add3A_355, %dot_general3A_359 : vector<1x128xf32>
    %slice3A_361 = vector.extract_strided_slice %max3A_331 {offsets = [4, 0], sizes = [1, 32], strides = [1, 1]} : vector<11x32xf32> to vector<1x32xf32>
    %slice3A_362 = vector.extract_strided_slice %get3A_334 {offsets = [128, 0], sizes = [32, 128], strides = [1, 1]} : vector<352x128xf32> to vector<32x128xf32>
    %dot_general3A_363 = arith.constant dense<0.000000e+00> : vector<1x128xf32>
    %dot_general3A_364 = tpu.matmul %slice3A_361, %slice3A_362, %dot_general3A_363 {dimension_numbers = #tpu.dot_dimension_numbers<[1], [0], [0], [1], [0, 0, 1, 1], [], []>, precision = #tpu.contract_precision<fp32>, transpose_lhs_hint = false} : vector<1x32xf32>, vector<32x128xf32>, vector<1x128xf32> -> vector<1x128xf32>
    %add3A_365 = arith.addf %add3A_360, %dot_general3A_364 : vector<1x128xf32>
    %slice3A_366 = vector.extract_strided_slice %max3A_331 {offsets = [5, 0], sizes = [1, 32], strides = [1, 1]} : vector<11x32xf32> to vector<1x32xf32>
    %slice3A_367 = vector.extract_strided_slice %get3A_334 {offsets = [160, 0], sizes = [32, 128], strides = [1, 1]} : vector<352x128xf32> to vector<32x128xf32>
    %dot_general3A_368 = arith.constant dense<0.000000e+00> : vector<1x128xf32>
    %dot_general3A_369 = tpu.matmul %slice3A_366, %slice3A_367, %dot_general3A_368 {dimension_numbers = #tpu.dot_dimension_numbers<[1], [0], [0], [1], [0, 0, 1, 1], [], []>, precision = #tpu.contract_precision<fp32>, transpose_lhs_hint = false} : vector<1x32xf32>, vector<32x128xf32>, vector<1x128xf32> -> vector<1x128xf32>
    %add3A_370 = arith.addf %add3A_365, %dot_general3A_369 : vector<1x128xf32>
    %slice3A_371 = vector.extract_strided_slice %max3A_331 {offsets = [6, 0], sizes = [1, 32], strides = [1, 1]} : vector<11x32xf32> to vector<1x32xf32>
    %slice3A_372 = vector.extract_strided_slice %get3A_334 {offsets = [192, 0], sizes = [32, 128], strides = [1, 1]} : vector<352x128xf32> to vector<32x128xf32>
    %dot_general3A_373 = arith.constant dense<0.000000e+00> : vector<1x128xf32>
    %dot_general3A_374 = tpu.matmul %slice3A_371, %slice3A_372, %dot_general3A_373 {dimension_numbers = #tpu.dot_dimension_numbers<[1], [0], [0], [1], [0, 0, 1, 1], [], []>, precision = #tpu.contract_precision<fp32>, transpose_lhs_hint = false} : vector<1x32xf32>, vector<32x128xf32>, vector<1x128xf32> -> vector<1x128xf32>
    %add3A_375 = arith.addf %add3A_370, %dot_general3A_374 : vector<1x128xf32>
    %slice3A_376 = vector.extract_strided_slice %max3A_331 {offsets = [7, 0], sizes = [1, 32], strides = [1, 1]} : vector<11x32xf32> to vector<1x32xf32>
    %slice3A_377 = vector.extract_strided_slice %get3A_334 {offsets = [224, 0], sizes = [32, 128], strides = [1, 1]} : vector<352x128xf32> to vector<32x128xf32>
    %dot_general3A_378 = arith.constant dense<0.000000e+00> : vector<1x128xf32>
    %dot_general3A_379 = tpu.matmul %slice3A_376, %slice3A_377, %dot_general3A_378 {dimension_numbers = #tpu.dot_dimension_numbers<[1], [0], [0], [1], [0, 0, 1, 1], [], []>, precision = #tpu.contract_precision<fp32>, transpose_lhs_hint = false} : vector<1x32xf32>, vector<32x128xf32>, vector<1x128xf32> -> vector<1x128xf32>
    %add3A_380 = arith.addf %add3A_375, %dot_general3A_379 : vector<1x128xf32>
    %slice3A_381 = vector.extract_strided_slice %max3A_331 {offsets = [8, 0], sizes = [1, 32], strides = [1, 1]} : vector<11x32xf32> to vector<1x32xf32>
    %slice3A_382 = vector.extract_strided_slice %get3A_334 {offsets = [256, 0], sizes = [32, 128], strides = [1, 1]} : vector<352x128xf32> to vector<32x128xf32>
    %dot_general3A_383 = arith.constant dense<0.000000e+00> : vector<1x128xf32>
    %dot_general3A_384 = tpu.matmul %slice3A_381, %slice3A_382, %dot_general3A_383 {dimension_numbers = #tpu.dot_dimension_numbers<[1], [0], [0], [1], [0, 0, 1, 1], [], []>, precision = #tpu.contract_precision<fp32>, transpose_lhs_hint = false} : vector<1x32xf32>, vector<32x128xf32>, vector<1x128xf32> -> vector<1x128xf32>
    %add3A_385 = arith.addf %add3A_380, %dot_general3A_384 : vector<1x128xf32>
    %slice3A_386 = vector.extract_strided_slice %max3A_331 {offsets = [9, 0], sizes = [1, 32], strides = [1, 1]} : vector<11x32xf32> to vector<1x32xf32>
    %slice3A_387 = vector.extract_strided_slice %get3A_334 {offsets = [288, 0], sizes = [32, 128], strides = [1, 1]} : vector<352x128xf32> to vector<32x128xf32>
    %dot_general3A_388 = arith.constant dense<0.000000e+00> : vector<1x128xf32>
    %dot_general3A_389 = tpu.matmul %slice3A_386, %slice3A_387, %dot_general3A_388 {dimension_numbers = #tpu.dot_dimension_numbers<[1], [0], [0], [1], [0, 0, 1, 1], [], []>, precision = #tpu.contract_precision<fp32>, transpose_lhs_hint = false} : vector<1x32xf32>, vector<32x128xf32>, vector<1x128xf32> -> vector<1x128xf32>
    %add3A_390 = arith.addf %add3A_385, %dot_general3A_389 : vector<1x128xf32>
    %slice3A_391 = vector.extract_strided_slice %max3A_331 {offsets = [10, 0], sizes = [1, 32], strides = [1, 1]} : vector<11x32xf32> to vector<1x32xf32>
    %slice3A_392 = vector.extract_strided_slice %get3A_334 {offsets = [320, 0], sizes = [32, 128], strides = [1, 1]} : vector<352x128xf32> to vector<32x128xf32>
    %dot_general3A_393 = arith.constant dense<0.000000e+00> : vector<1x128xf32>
    %dot_general3A_394 = tpu.matmul %slice3A_391, %slice3A_392, %dot_general3A_393 {dimension_numbers = #tpu.dot_dimension_numbers<[1], [0], [0], [1], [0, 0, 1, 1], [], []>, precision = #tpu.contract_precision<fp32>, transpose_lhs_hint = false} : vector<1x32xf32>, vector<32x128xf32>, vector<1x128xf32> -> vector<1x128xf32>
    %add3A_395 = arith.addf %add3A_390, %dot_general3A_394 : vector<1x128xf32>
    %max3A_396 = arith.constant 0.000000e+00 : f32
    %max3A_397 = vector.broadcast %max3A_396 : f32 to vector<1x128xf32>
    %max3A_398 = arith.maximumf %add3A_395, %max3A_397 : vector<1x128xf32>
    %swap3A = arith.constant 0 : index
    %swap3A_399 = arith.constant 0 : index
    %swap3A_400 = arith.constant 0 : index
    %swap3A_401 = vector.load %arg26[%swap3A, %swap3A_399, %swap3A_400] : memref<1x1x128xf32, #tpu.memory_space<vmem>>, vector<1x1x128xf32>
    %swap3A_402 = vector.shape_cast %swap3A_401 : vector<1x1x128xf32> to vector<1x128xf32>
    %swap3A_403 = vector.shape_cast %max3A_398 : vector<1x128xf32> to vector<1x1x128xf32>
    tpu.vector_store %arg26[%swap3A, %swap3A_399, %swap3A_400], %swap3A_403 {strides = array<i32>} : memref<1x1x128xf32, #tpu.memory_space<vmem>>, vector<1x1x128xf32>,
    return
  }
  func.func @transform_0(%arg0: i32) -> (i32, i32, i32) {
    %c0_i32 = arith.constant 0 : i32
    %c0_i32_0 = arith.constant 0 : i32
    %c0_i32_1 = arith.constant 0 : i32
    return %arg0, %c0_i32, %c0_i32_0 : i32, i32, i32
  }
  func.func @transform_1(%arg0: i32) -> (i32, i32, i32) {
    %c0_i32 = arith.constant 0 : i32
    %c0_i32_0 = arith.constant 0 : i32
    %c0_i32_1 = arith.constant 0 : i32
    return %arg0, %c0_i32, %c0_i32_0 : i32, i32, i32
  }
  func.func @transform_2(%arg0: i32) -> (i32, i32, i32) {
    %c0_i32 = arith.constant 0 : i32
    %c0_i32_0 = arith.constant 0 : i32
    %c0_i32_1 = arith.constant 0 : i32
    return %arg0, %c0_i32, %c0_i32_0 : i32, i32, i32
  }
  func.func @transform_3(%arg0: i32) -> (i32, i32) {
    %c0_i32 = arith.constant 0 : i32
    %c0_i32_0 = arith.constant 0 : i32
    %c0_i32_1 = arith.constant 0 : i32
    return %c0_i32, %c0_i32_0 : i32, i32
  }
  func.func @transform_4(%arg0: i32) -> (i32, i32) {
    %c0_i32 = arith.constant 0 : i32
    %c0_i32_0 = arith.constant 0 : i32
    %c0_i32_1 = arith.constant 0 : i32
    return %c0_i32, %c0_i32_0 : i32, i32
  }
  func.func @transform_5(%arg0: i32) -> (i32, i32) {
    %c0_i32 = arith.constant 0 : i32
    %c0_i32_0 = arith.constant 0 : i32
    %c0_i32_1 = arith.constant 0 : i32
    return %c0_i32, %c0_i32_0 : i32, i32
  }
  func.func @transform_6(%arg0: i32) -> (i32, i32) {
    %c0_i32 = arith.constant 0 : i32
    %c0_i32_0 = arith.constant 0 : i32
    %c0_i32_1 = arith.constant 0 : i32
    return %c0_i32, %c0_i32_0 : i32, i32
  }
  func.func @transform_7(%arg0: i32) -> (i32, i32) {
    %c0_i32 = arith.constant 0 : i32
    %c0_i32_0 = arith.constant 0 : i32
    %c0_i32_1 = arith.constant 0 : i32
    return %c0_i32, %c0_i32_0 : i32, i32
  }
  func.func @transform_8(%arg0: i32) -> (i32, i32) {
    %c0_i32 = arith.constant 0 : i32
    %c0_i32_0 = arith.constant 0 : i32
    %c0_i32_1 = arith.constant 0 : i32
    return %c0_i32, %c0_i32_0 : i32, i32
  }
  func.func @transform_9(%arg0: i32) -> (i32, i32) {
    %c0_i32 = arith.constant 0 : i32
    %c0_i32_0 = arith.constant 0 : i32
    %c0_i32_1 = arith.constant 0 : i32
    return %c0_i32, %c0_i32_0 : i32, i32
  }
  func.func @transform_10(%arg0: i32) -> (i32, i32) {
    %c0_i32 = arith.constant 0 : i32
    %c0_i32_0 = arith.constant 0 : i32
    %c0_i32_1 = arith.constant 0 : i32
    return %c0_i32, %c0_i32_0 : i32, i32
  }
  func.func @transform_11(%arg0: i32) -> (i32, i32) {
    %c0_i32 = arith.constant 0 : i32
    %c0_i32_0 = arith.constant 0 : i32
    %c0_i32_1 = arith.constant 0 : i32
    return %c0_i32, %c0_i32_0 : i32, i32
  }
  func.func @transform_12(%arg0: i32) -> (i32, i32) {
    %c0_i32 = arith.constant 0 : i32
    %c0_i32_0 = arith.constant 0 : i32
    %c0_i32_1 = arith.constant 0 : i32
    return %c0_i32, %c0_i32_0 : i32, i32
  }
  func.func @transform_13(%arg0: i32) -> (i32, i32) {
    %c0_i32 = arith.constant 0 : i32
    %c0_i32_0 = arith.constant 0 : i32
    %c0_i32_1 = arith.constant 0 : i32
    return %c0_i32, %c0_i32_0 : i32, i32
  }
  func.func @transform_14(%arg0: i32) -> (i32, i32) {
    %c0_i32 = arith.constant 0 : i32
    %c0_i32_0 = arith.constant 0 : i32
    %c0_i32_1 = arith.constant 0 : i32
    return %c0_i32, %c0_i32_0 : i32, i32
  }
  func.func @transform_15(%arg0: i32) -> (i32, i32) {
    %c0_i32 = arith.constant 0 : i32
    %c0_i32_0 = arith.constant 0 : i32
    %c0_i32_1 = arith.constant 0 : i32
    return %c0_i32, %c0_i32_0 : i32, i32
  }
  func.func @transform_16(%arg0: i32) -> (i32, i32) {
    %c0_i32 = arith.constant 0 : i32
    %c0_i32_0 = arith.constant 0 : i32
    %c0_i32_1 = arith.constant 0 : i32
    return %c0_i32, %c0_i32_0 : i32, i32
  }
  func.func @transform_17(%arg0: i32) -> (i32, i32) {
    %c0_i32 = arith.constant 0 : i32
    %c0_i32_0 = arith.constant 0 : i32
    %c0_i32_1 = arith.constant 0 : i32
    return %c0_i32, %c0_i32_0 : i32, i32
  }
  func.func @transform_18(%arg0: i32) -> (i32, i32) {
    %c0_i32 = arith.constant 0 : i32
    %c0_i32_0 = arith.constant 0 : i32
    %c0_i32_1 = arith.constant 0 : i32
    return %c0_i32, %c0_i32_0 : i32, i32
  }
  func.func @transform_19(%arg0: i32) -> (i32, i32) {
    %c0_i32 = arith.constant 0 : i32
    %c0_i32_0 = arith.constant 0 : i32
    %c0_i32_1 = arith.constant 0 : i32
    return %c0_i32, %c0_i32_0 : i32, i32
  }
  func.func @transform_20(%arg0: i32) -> (i32, i32) {
    %c0_i32 = arith.constant 0 : i32
    %c0_i32_0 = arith.constant 0 : i32
    %c0_i32_1 = arith.constant 0 : i32
    return %c0_i32, %c0_i32_0 : i32, i32
  }
  func.func @transform_21(%arg0: i32) -> (i32, i32, i32) {
    %c0_i32 = arith.constant 0 : i32
    %c0_i32_0 = arith.constant 0 : i32
    %c0_i32_1 = arith.constant 0 : i32
    %c0_i32_2 = arith.constant 0 : i32
    return %c0_i32, %c0_i32_0, %c0_i32_1 : i32, i32, i32
  }
  func.func @transform_22(%arg0: i32) -> (i32, i32) {
    %c0_i32 = arith.constant 0 : i32
    %c0_i32_0 = arith.constant 0 : i32
    %c0_i32_1 = arith.constant 0 : i32
    return %c0_i32, %c0_i32_0 : i32, i32
  }
  func.func @transform_23(%arg0: i32) -> (i32, i32) {
    %c0_i32 = arith.constant 0 : i32
    %c0_i32_0 = arith.constant 0 : i32
    %c0_i32_1 = arith.constant 0 : i32
    return %c0_i32, %c0_i32_0 : i32, i32
  }
  func.func @transform_24(%arg0: i32) -> (i32, i32) {
    %c0_i32 = arith.constant 0 : i32
    %c0_i32_0 = arith.constant 0 : i32
    %c0_i32_1 = arith.constant 0 : i32
    return %c0_i32, %c0_i32_0 : i32, i32
  }
  func.func @transform_25(%arg0: i32) -> (i32, i32, i32) {
    %c0_i32 = arith.constant 0 : i32
    %c0_i32_0 = arith.constant 0 : i32
    %c0_i32_1 = arith.constant 0 : i32
    return %arg0, %c0_i32, %c0_i32_0 : i32, i32, i32
  }
}

</mosaic_0001>

<sc_bundles>
// kernel: kernel.4.cloned.1.call-start
scs
__scs_entry_jumppad:
0x0: {  	(pc) =	sbr.rel $0x88, $3  }
0x1: {  	(tag) =	ssettag $0x0;
	lr =	simm.s32 $0x1  }
0x2: {  	[smem:$0x3F87] =	sst lr;
	_ =	strace $0xD0000000  }
0x3: {  	_ = 	snop  }
0x4: {  	_ = 	snop  }
0x5: {  	_ = 	snop  }
0x6: {  	_ = 	snop  }
0x7: {  	_ = 	snop  }
__scs_overlays_trampoline_lowered:
0x8: {  	[smem:$0x3F96] =	sst s0  }
0x9: {  	[smem:$0x3F97] =	sst s1  }
0xa: {  	[smem:$0x3F98] =	sst s2  }
0xb: {  	[smem:$0x3F99] =	sst s3  }
0xc: {  	[smem:$0x3F9A] =	sst s4  }
0xd: {  	[smem:$0x3F9B] =	sst s5  }
0xe: {  	[smem:$0x3F9C] =	sst s6  }
0xf: {  	[smem:$0x3F9D] =	sst s7  }
0x10: {  	[smem:$0x3F9E] =	sst s8  }
0x11: {  	[smem:$0x3F9F] =	sst s9;
	s0 =	simm.s32 @!p0 $0x0  }
0x12: {  	s1 =	sld [smem:$0x3F85];
	s0 =	simm.s32 @p0 $0x1  }
0x13: {  	[smem:$0x3FA0] =	sst s0;
	s0 =	simm.s32 @!p1 $0x0  }
0x14: {  	s2 =	sld [smem:$0x3F84];
	s0 =	simm.s32 @p1 $0x1  }
0x15: {  	[smem:$0x3FA1] =	sst s0;
	s0 =	simm.s32 @!p2 $0x0  }
0x16: {  	s3 =	sld [smem:$0x3FDB];
	s0 =	simm.s32 @p2 $0x1  }
0x17: {  	s4 =	simm.s32 $0x1BF5;
	[smem:$0x3FA3] =	sst s0  }
0x18: {  	s0 =	sld [smem:$0x3F86];
	_ =	swait.ge [sflag:s4], $0x0  }
0x19: {  	s7 =	sld [smem:$0x3F87]  }
0x1a: {  	s8 =	sadd.s32 $0xFFFFE003, lr  }
0x1b: {  	s9 =	sadd.s32 $0xFFFFFEF7, lr;
	s5 =	simm.s32 $0xFFFFFFFF;
	p2 =	slt.u32 s8, $0xFFFFF086  }
0x1c: {  	p1 =	slt.u32 s9, $0xF7A;
	s5 =	simm.s32 @!p2 $0x0  }
0x1d: {  	s5 =	simm.s32 @p1 $0x1;
	p0 =	seq.s32 s7, s2  }
0x1e: {  	s7 =	smul.u32 @!p0 $0xF7A, s2;
	p2 =	seq.s32 @!p0 s5, $0x0  }
0x1f: {  	s9 =	smul.u32 $0xF7A, s1;
	s8 =	simm.s32 @!p0 $0x1BF5;
	p2 =	por !p2, p0  }
0x20: {  	[sflag:s8] =	ssyncset.s32 @!p0 $0xFFFFF086;
	s6 =	sadd.s32 @!p0 s3, s7;
	s7 =	simm.s32 @!p0 $0x108  }
0x21: {  	s3 =	sadd.s32 s3, s9;
	s6 =	sadd.s32 @!p0 $0x88, s6;
	s7 =	simm.s32 @p2 $0x1082  }
0x22: {  	[simem:s7], [sflag:s8] =	dma.local @!p0 [hbm:s6], $0xF7A  }
0x23: {  	s9 =	sor.u32 $0xD0000000, s2;
	s6 =	simm.s32 $0x108;
	_ =	swait.ge @!p0 [sflag:s8], $0x0  }
0x24: {  	s3 =	sadd.s32 $0x88, s3;
	s6 =	simm.s32 @!p1 $0x1082;
	[sflag:s4] =	ssyncset.s32 $0xFFFFF086  }
0x25: {  	[simem:s6], [sflag:s4] =	dma.local [hbm:s3], $0xF7A  }
0x26: {  	[smem:$0x3F87] =	sst s1;
	(tag) =	ssettag s2;
	_ =	strace s9  }
0x27: {  	s1 =	sld [smem:$0x3F97]  }
0x28: {  	s2 =	sld [smem:$0x3F98]  }
0x29: {  	s4 =	sld [smem:$0x3F9A]  }
0x2a: {  	p0 =	seq.s32 s5, $0x0;
	s5 =	sld [smem:$0x3F9B]  }
0x2b: {  	s6 =	sld [smem:$0x3F9C]  }
0x2c: {  	s7 =	sld [smem:$0x3F9D]  }
0x2d: {  	s3 =	simm.s32 $0x108;
	s8 =	sld [smem:$0x3F9E]  }
0x2e: {  	s3 =	simm.s32 @!p0 $0x1082;
	s9 =	sld [smem:$0x3F9F]  }
0x2f: {  	lr =	sadd.s32 s0, s3;
	s0 =	sld [smem:$0x3F96]  }
0x30: {  	s3 =	sld [smem:$0x3F99]  }
0x31: {  	[smem:$0x3FA2] =	sst s10  }
0x32: {  	s10 =	sld [smem:$0x3FA0];
	_ =	sdelay $0x3  }
0x33: {  	p0 =	seq.s32 s10, $0x1;
	s10 =	sld [smem:$0x3FA2];
	_ =	sdelay $0x3  }
0x34: {  	[smem:$0x3FA2] =	sst s10  }
0x35: {  	s10 =	sld [smem:$0x3FA1];
	_ =	sdelay $0x3  }
0x36: {  	p1 =	seq.s32 s10, $0x1;
	s10 =	sld [smem:$0x3FA2];
	_ =	sdelay $0x3  }
0x37: {  	[smem:$0x3FA2] =	sst s10  }
0x38: {  	s10 =	sld [smem:$0x3FA3]  }
0x39: {  	_ = 	snop;
	(pc) =	sbr.ind lr, $3  }
0x3a: {  	_ = 	snop  }
0x3b: {  	_ = 	snop  }
0x3c: {  	p2 =	seq.s32 s10, $0x1;
	s10 =	sld [smem:$0x3FA2]  }
0x3d: {  	_ =	shalt  }
0x3e: {  	_ =	shalt  }
0x3f: {  	_ =	shalt  }
0x40: {  	_ =	shalt  }
0x41: {  	_ =	shalt  }
0x42: {  	_ =	shalt  }
0x43: {  	_ =	shalt  }
0x44: {  	_ =	shalt  }
0x45: {  	_ =	shalt  }
0x46: {  	_ =	shalt  }
0x47: {  	_ =	shalt  }
0x48: {  	_ =	shalt  }
0x49: {  	_ =	shalt  }
0x4a: {  	_ =	shalt  }
0x4b: {  	_ =	shalt  }
0x4c: {  	_ =	shalt  }
0x4d: {  	_ =	shalt  }
0x4e: {  	_ =	shalt  }
0x4f: {  	_ =	shalt  }
0x50: {  	_ =	shalt  }
0x51: {  	_ =	shalt  }
0x52: {  	_ =	shalt  }
0x53: {  	_ =	shalt  }
0x54: {  	_ =	shalt  }
0x55: {  	_ =	shalt  }
0x56: {  	_ =	shalt  }
0x57: {  	_ =	shalt  }
0x58: {  	_ =	shalt  }
0x59: {  	_ =	shalt  }
0x5a: {  	_ =	shalt  }
0x5b: {  	_ =	shalt  }
0x5c: {  	_ =	shalt  }
0x5d: {  	_ =	shalt  }
0x5e: {  	_ =	shalt  }
0x5f: {  	_ =	shalt  }
0x60: {  	_ =	shalt  }
0x61: {  	_ =	shalt  }
0x62: {  	_ =	shalt  }
0x63: {  	_ =	shalt  }
0x64: {  	_ =	shalt  }
0x65: {  	_ =	shalt  }
0x66: {  	_ =	shalt  }
0x67: {  	_ =	shalt  }
0x68: {  	_ =	shalt  }
0x69: {  	_ =	shalt  }
0x6a: {  	_ =	shalt  }
0x6b: {  	_ =	shalt  }
0x6c: {  	_ =	shalt  }
0x6d: {  	_ =	shalt  }
0x6e: {  	_ =	shalt  }
0x6f: {  	_ =	shalt  }
0x70: {  	_ =	shalt  }
0x71: {  	_ =	shalt  }
0x72: {  	_ =	shalt  }
0x73: {  	_ =	shalt  }
0x74: {  	_ =	shalt  }
0x75: {  	_ =	shalt  }
0x76: {  	_ =	shalt  }
0x77: {  	_ =	shalt  }
0x78: {  	_ =	shalt  }
0x79: {  	_ =	shalt  }
0x7a: {  	_ =	shalt  }
0x7b: {  	_ =	shalt  }
0x7c: {  	_ =	shalt  }
0x7d: {  	_ =	shalt  }
0x7e: {  	_ =	shalt  }
0x7f: {  	_ =	shalt  }
0x80: {  	_ =	shalt  }
0x81: {  	_ =	shalt  }
0x82: {  	_ =	shalt  }
0x83: {  	_ =	shalt  }
0x84: {  	_ =	shalt  }
0x85: {  	_ =	shalt  }
0x86: {  	_ =	shalt  }
0x87: {  	_ =	shalt  }
.Lfunc_end0:
.L_simem_size_0:
called_computation_lowered:
.L_overlay_start_0:
0x88: {  	s2 =	sld [smem:$0x3FD9]  }
0x89: {  	s3 =	sld [smem:$0x3FFE];
	_ =	sdelay $0x1  }
0x8a: {  	s1 =	srdreg.scid  }
0x8b: {  	s0 =	sand.u32 $0x1, s1  }
0x8c: {  	s17 =	sshll.u32 s0, $0xA;
	s2 =	sadd.s32 s3, s2  }
0x8d: {  	s2 =	sadd.s32 s2, s17  }
0x8e: {  	[smem:$0x3FAE] =	sst s2  }
0x8f: {  	_ = 	snop  }
0x90: {  	s2 =	sld [smem:$0x3FC7];
	(tm) =	ssettm $0x1  }
0x91: {  	s18 =	sld [smem:$0x3FFB];
	_ =	sdelay $0x3  }
0x92: {  	_ =	strace s18  }
0x93: {  	s3 =	sld [smem:$0x3FFC];
	_ =	sdelay $0x3  }
0x94: {  	_ =	strace s3  }
0x95: {  	s3 =	sld [smem:$0x3FFD];
	_ =	sdelay $0x3  }
0x96: {  	_ =	strace s3  }
0x97: {  	_ =	strace $0x8FFFFFFF  }
0x98: {  	s19 =	sld [smem:$0x3FDB];
	_ =	sdelay $0x1  }
0x99: {  	s4 =	simm.s32 $_scs_section_size  }
0x9a: {  	s5 =	simm.s32 $_size__tile_overlayer_lowered;
	s6 =	simm.s32 $_tile_overlayer_lowered  }
0x9b: {  	s22 =	simm.s32 $0x1BFF;
	s21 =	sshll.u32 s6, $0x1;
	s3 =	sadd.s32 s4, s19  }
0x9c: {  	s7 =	simm.s32 $0x0;
	s20 =	sshll.u32 s5, $0x1;
	s5 =	sadd.s32 s21, s3  }
0x9d: {  	[timem:s7], [sflag:s22] =	dma.local [hbm:s5], s20  }
0x9e: {  	_ =	swait.ge [sflag:s22], s20  }
0x9f: {  	s4 =	ssub.s32 $0x0, s20;
	[sflag:s22] =	ssyncset.done $0x0  }
0xa0: {  	[sflag:s22] =	ssyncadd.s32 s4;
	_ =	sdelay $0x1  }
0xa1: {  	s23 =	simm.s32 $0x1B8B  }
0xa2: {  	_ =	swait.ge [sflag:s23], $0x1  }
0xa3: {  	[sflag:s23] =	ssyncset.done $0x0  }
0xa4: {  	s25 =	simm.s32 $0x1B8E;
	s24 =	sld [smem:$0x3FFE];
	[sflag:s23] =	ssyncadd.s32 $0xFFFFFFFF  }
0xa5: {  	s26 =	simm.s32 $execute0_lowered;
	[smem:$0x3FD2] =	sst s25  }
0xa6: {  	s5 =	sshll.u32 s26, $0x1;
	_ =	strace $0x80000046;
	[dreg:$0x1] =	wrdreg $0xFFFFFFFF  }
0xa7: {  	s28 =	simm.s32 $_size_execute0_lowered;
	s3 =	sadd.s32 s3, s5;
	[dreg:$0x0] =	wrdreg $0x0  }
0xa8: {  	s5 =	sshll.u32 s28, $0x1;
	[dreg:$0x2] =	wrdreg s3  }
0xa9: {  	[dreg:$0x3] =	wrdreg s5  }
0xaa: {  	[dreg:$0x4] =	wrdreg $0xC0  }
0xab: {  	_ =	task [dreg:s7], $0x5FFFF  }
0xac: {  	[dreg:$0x1] =	wrdreg $0xFFFFFFFF  }
0xad: {  	[dreg:$0x0] =	wrdreg $0x60  }
0xae: {  	[dreg:$0x2] =	wrdreg s24  }
0xaf: {  	[dreg:$0x3] =	wrdreg s2  }
0xb0: {  	[dreg:$0x4] =	wrdreg $0x29800  }
0xb1: {  	[dreg:$0x5] =	wrdreg $0x9  }
0xb2: {  	_ =	task.clear_ibuf [dreg:s7], $0x6FFFF;
	_ =	strace $0x90000046  }
0xb3: {  	s29 =	simm.s32 $0x9;
	_ =	strace $0x80000048  }
0xb4: {  	_ =	swait.ge [sflag:s29], $0x1  }
0xb5: {  	[sflag:s29] =	ssyncadd.s32 $0xFFFFFFFF  }
0xb6: {  	_ =	strace $0x90000048  }
0xb7: {  	_ =	sfence  }
0xb8: {  	s30 =	sld [smem:$0x0];
	_ =	sdelay $0x2  }
0xb9: {  	s31 =	sshll.u32 s1, $0xD;
	s1 =	sshrl.u32 s1, $0x2  }
0xba: {  	s3 =	sand.u32 $0x4000, s31;
	s1 =	sadd.s32 s1, s30  }
0xbb: {  	s0 =	sor.u32 s3, s0;
	s1 =	sshll.u32 s1, $0x11  }
0xbc: {  	s0 =	sor.u32 s1, s0  }
0xbd: {  	s0 =	sadd.s32 $0x8F2B, s0  }
0xbe: {  	[sflag:s0] =	ssyncadd.remote.s32 $0x1  }
0xbf: {  	_ =	sfence.sel $0xFFFF  }
0xc0: {  	[dreg:$0x0] =	wrdreg $0xFFFFFFFF;
	(pc) =	sbr.abs _section_cstart, $3  }
0xc1: {  	[dreg:$0x1] =	wrdreg $0xFFFFFFFF  }
0xc2: {  	_ =	task.clear_ibuf [dreg:s7], $0x2FFFF;
	_ =	strace $0x9FFFFFFF  }
0xc3: {  	(tm) =	ssettm $0x7FFFFFFF  }
tec
execute0_lowered:
.L_overlay_start_1:
0x0: {  	(tag) =	ssettag $0x1  }
0x1: {  	s1 =	rddreg [dreg:$0x0]  }
0x2: {  	s0 =	srdreg.scid;
	s17 =	rddreg [dreg:$0x1]  }
0x3: {  	s16 =	stileid.u32;
	s5 =	simm.s32 $0x0;
	s18 =	rddreg [dreg:$0x2]  }
0x4: {  	s0 =	sand.u32 $0x1, s0;
	s4 =	smul.u32 $0x186A0, s16;
	[smem:$0x7FF] =	sst s5  }
0x5: {  	s5 =	sadd.s32 $0x16200, s1;
	s2 =	ssub.s32 $0x2, s0;
	s0 =	smul.u32 $0xF4240, s0  }
0x6: {  	s3 =	sshrl.u32 s2, $0x1;
	s6 =	sadd.s32 $0x2710, s4;
	s7 =	sadd.s32 $0x4E20, s4  }
0x7: {  	s10 =	sadd.s32 $0xC350, s4;
	s20 =	sadd.s32 $0x11170, s4;
	s13 =	sadd.s32 $0x13880, s4  }
0x8: {  	s2 =	ssub.s32 s2, s3;
	s24 =	sadd.s32 s0, s4;
	s8 =	sadd.s32 s0, s6  }
0x9: {  	s9 =	sadd.s32 s0, s7;
	s12 =	sadd.s32 s0, s10;
	s14 =	sadd.s32 s0, s20  }
0xa: {  	s15 =	sadd.s32 s0, s13;
	s3 =	sshrl.u32 s24, $0x3;
	s25 =	sshrl.u32 s8, $0x3  }
0xb: {  	s26 =	sshrl.u32 s9, $0x3;
	s9 =	sadd.s32 $0x9C40, s4;
	s31 =	sshrl.u32 s12, $0x3  }
0xc: {  	s12 =	sadd.s32 $0xEA60, s4;
	s21 =	sshrl.u32 s14, $0x3;
	s22 =	sshrl.u32 s15, $0x3  }
0xd: {  	s24 =	sadd.s32 $0x15F90, s4;
	s3 =	sadd.s32 s5, s3;
	s28 =	sadd.s32 s5, s26  }
0xe: {  	s11 =	sadd.s32 s0, s9;
	s19 =	sadd.s32 s0, s12;
	[dreg:$0x6] =	wrdreg s3  }
0xf: {  	s23 =	sadd.s32 s5, s22;
	s3 =	sadd.s32 s5, s25;
	[dreg:$0x8] =	wrdreg s28  }
0x10: {  	s30 =	sshrl.u32 s11, $0x3;
	s11 =	sadd.s32 s5, s31;
	[dreg:$0x7] =	wrdreg s3  }
0x11: {  	s3 =	sadd.s32 $0x7530, s4;
	[dreg:$0xb] =	wrdreg s11;
	s11 =	sshrl.u32 s19, $0x3  }
0x12: {  	[dreg:$0xe] =	wrdreg s23;
	s29 =	sadd.s32 s0, s3;
	s11 =	sadd.s32 s5, s11  }
0x13: {  	s8 =	sshrl.u32 s29, $0x3;
	[dreg:$0xc] =	wrdreg s11;
	s11 =	sadd.s32 s5, s21  }
0x14: {  	s25 =	sadd.s32 s0, s24;
	s8 =	sadd.s32 s5, s8;
	[dreg:$0xd] =	wrdreg s11  }
0x15: {  	s14 =	sshrl.u32 s25, $0x3;
	[dreg:$0x9] =	wrdreg s8;
	s8 =	sadd.s32 s5, s30  }
0x16: {  	s19 =	smul.u32 $0x4E20, s16;
	s5 =	sadd.s32 s5, s14;
	[dreg:$0xa] =	wrdreg s8  }
0x17: {  	[dreg:$0x10] =	wrdreg s5  }
0x18: {  	s30 =	sadd.s32 $0xC400, s1;
	_ =	strace $0x80000047;
	[dreg:$0xf] =	wrdreg s19  }
0x19: {  	s1 =	sadd.s32 $0x2600, s1;
	[dreg:$0x11] =	wrdreg s30  }
0x1a: {  	s2 =	smax.u32 s2, $0x1;
	s26 =	smul.u32 $0x61A80, s16;
	[dreg:$0x12] =	wrdreg s1  }
0x1b: {  	s4 =	sadd.s32 s4, s18;
	[dreg:$0x17] =	wrdreg s2  }
0x1c: {  	s9 =	sadd.s32 s9, s18;
	s29 =	sshrl.u32 s26, $0x2;
	[dreg:$0x18] =	wrdreg s4  }
0x1d: {  	s21 =	sadd.s32 s24, s18;
	s14 =	sadd.s32 s29, s18;
	[dreg:$0x1c] =	wrdreg s9  }
0x1e: {  	s22 =	sadd.s32 $0x2710, s14;
	[smem:$0x7F4] =	sst s21  }
0x1f: {  	s23 =	sadd.s32 $0x4E20, s14;
	[smem:$0x7F5] =	sst s22  }
0x20: {  	s24 =	sadd.s32 $0x7530, s14;
	[smem:$0x7F6] =	sst s23  }
0x21: {  	s25 =	sadd.s32 $0x9C40, s14;
	[smem:$0x7F7] =	sst s24  }
0x22: {  	s28 =	sshrl.u32 s19, $0x3;
	s26 =	sadd.s32 $0xC350, s14;
	[smem:$0x7F8] =	sst s25  }
0x23: {  	s5 =	sadd.s32 $0x9C0, s28;
	s28 =	sadd.s32 $0xEA60, s14;
	[smem:$0x7F9] =	sst s26  }
0x24: {  	s29 =	sadd.s32 $0x11170, s14;
	[smem:$0x7FA] =	sst s28  }
0x25: {  	[smem:$0x7FB] =	sst s29  }
0x26: {  	s15 =	sadd.s32 s30, s5;
	[dreg:$0x13] =	wrdreg s14  }
0x27: {  	s1 =	sadd.s32 s1, s5;
	[dreg:$0x14] =	wrdreg s15  }
0x28: {  	s31 =	sadd.s32 s17, s5;
	[dreg:$0x15] =	wrdreg s1  }
0x29: {  	s5 =	sadd.s32 s6, s18;
	[dreg:$0x16] =	wrdreg s31  }
0x2a: {  	s6 =	sadd.s32 s7, s18;
	[dreg:$0x19] =	wrdreg s5  }
0x2b: {  	s7 =	sadd.s32 s3, s18;
	[dreg:$0x1a] =	wrdreg s6  }
0x2c: {  	v0 =	vimm.s32 $0xECA86420;
	v1 =	vimm.f32 $0.0e+00;
	vm0 =	vcmask $0xB08;
	s17 =	sadd.s32 s12, s18;
	[dreg:$0x1b] =	wrdreg s7  }
0x2d: {  	vm1 =	vcmask $0x1310;
	vm2 =	vcmask $0x1B18;
	vm8 =	vcmask $0x300;
	s19 =	sadd.s32 s20, s18;
	[dreg:$0x1e] =	wrdreg s17  }
.Ltmp0:
0x2e: {  	v9 =	vlaneseq.u32;
	vm4 =	vmmov $0xff;
	vm9 =	vcmask $0x704;
	s20 =	sadd.s32 s13, s18;
	[dreg:$0x1f] =	wrdreg s19;
	(pc) =	sbr.rel .LBB2_1-.Ltmp0, $4  }
0x2f: {  	v10 =	vimm.s32 $0x0;
	v2 =	vunpack.c.l.s4.s8 v0;
	p0 =	slt.u32 s16, $0xA;
	v3 =	vmul.u32 $0x2, v9;
	s30 =	sadd.s32 $0x13880, s14;
	[smem:$0x7F3] =	sst s20  }
0x30: {  	p1 =	sgt.u32 s16, $0x9;
	v4 =	vor.u32 $0xF4260, v9;
	v5 =	vor.u32 $0xF4270, v9;
	v6 =	vor.u32 $0xF4280, v9;
	s15 =	sadd.s32 s10, s18;
	[smem:$0x7FC] =	sst s30  }
0x31: {  	v7 =	vor.u32 $0xF4290, v9;
	v8 =	vor.u32 $0xF42A0, v9;
	v10 =	vsel vm4, $0xFFFFFFFF, v10;
	s4 =	simm.s32 $0x80;
	s31 =	sadd.s32 $0x15F90, s14;
	[dreg:$0x1d] =	wrdreg s15  }
0x32: {  	v9 =	vor.u32 $0xF42B0, v9;
	v2 =	vunpack.c.0.s8.s32 v2;
	v0 =	vmov s0;
	[tilespmem:$0x1FFF0] =	vst v10;
	s5 =	simm.s32 $0x180;
	s6 =	simm.s32 $0x0;
	[smem:$0x7FD] =	sst s31  }
.LBB2_11:
0x33: {  	s6 =	sadd.s32 $0x1, s6;
	s0 =	rddreg [dreg:$0x17]  }
0x34: {  	p2 =	sne.s32 s6, s0  }
.Ltmp1:
0x35: {  	_ = 	snop;
	(pc) =	sbr.rel @!p2 .LBB2_12-.Ltmp1, $2  }
0x36: {  	_ =	sdelay $0x2  }
0x37: {  	vm9 =	vmmov vm10;
	vm8 =	vcmask $0x300  }
.LBB2_1:
.Ltmp2:
0x38: {  	(pc) =	sbr.rel @!p0 .LBB2_5-.Ltmp2, $2  }
0x39: {  	_ =	sdelay $0x2  }
0x3a: {  	[smem:$0x7F2] =	sst s6  }
0x3b: {  	s0 =	simm.s32 $0x40;
	s1 =	simm.s32 $0x0  }
.LBB2_3:
0x3c: {  	p2 =	seq.s32 s0, $0x9C00;
	[tilespmem:s1+$0x200] =	vst v1;
	s1 =	smov.u32 s0;
	s0 =	sadd.s32 $0x40, s0  }
.Ltmp3:
0x3d: {  	(pc) =	sbr.rel @!p2 .LBB2_3-.Ltmp3, $2  }
0x3e: {  	_ =	sdelay $0x2  }
0x3f: {  	s1 =	sshra.s32 s1, $0x2  }
0x40: {  	[tilespmem:s1+$0x200] =	vst v1;
	s0 =	rddreg [dreg:$0x13];
	s21 =	simm.s32 $0x200;
	s2 =	simm.s32 $0x4  }
0x41: {  	[spmem:s0] =	stream.linear.scatter [tilespmem:s21], [sflag:$0x4], $0x2710, $0x38;
	[tilespmem:$0x11E28] =	vst v63  }
0x42: {  	_ =	swait.ge [sflag:s2], $0x2710  }
0x43: {  	s22 =	sld [smem:$0x7F5]  }
0x44: {  	[sflag:s2] =	ssyncset.done $0x0  }
0x45: {  	[sflag:s2] =	ssyncadd.s32 $0xFFFFD8F0  }
0x46: {  	[spmem:s22] =	stream.linear.scatter [tilespmem:s21], [sflag:$0x4], $0x2710, $0x38;
	[tilespmem:$0x11E28] =	vst v63  }
0x47: {  	_ =	swait.ge [sflag:s2], $0x2710  }
0x48: {  	s23 =	sld [smem:$0x7F6]  }
0x49: {  	[sflag:s2] =	ssyncset.done $0x0  }
0x4a: {  	[sflag:s2] =	ssyncadd.s32 $0xFFFFD8F0  }
0x4b: {  	[spmem:s23] =	stream.linear.scatter [tilespmem:s21], [sflag:$0x4], $0x2710, $0x38;
	[tilespmem:$0x11E28] =	vst v63  }
0x4c: {  	_ =	swait.ge [sflag:s2], $0x2710  }
0x4d: {  	s24 =	sld [smem:$0x7F7]  }
0x4e: {  	[sflag:s2] =	ssyncset.done $0x0  }
0x4f: {  	[sflag:s2] =	ssyncadd.s32 $0xFFFFD8F0  }
0x50: {  	[spmem:s24] =	stream.linear.scatter [tilespmem:s21], [sflag:$0x4], $0x2710, $0x38;
	[tilespmem:$0x11E28] =	vst v63  }
0x51: {  	_ =	swait.ge [sflag:s2], $0x2710  }
0x52: {  	s25 =	sld [smem:$0x7F8]  }
0x53: {  	[sflag:s2] =	ssyncset.done $0x0  }
0x54: {  	[sflag:s2] =	ssyncadd.s32 $0xFFFFD8F0  }
0x55: {  	[spmem:s25] =	stream.linear.scatter [tilespmem:s21], [sflag:$0x4], $0x2710, $0x38;
	[tilespmem:$0x11E28] =	vst v63  }
0x56: {  	_ =	swait.ge [sflag:s2], $0x2710  }
0x57: {  	s26 =	sld [smem:$0x7F9]  }
0x58: {  	[sflag:s2] =	ssyncset.done $0x0  }
0x59: {  	[sflag:s2] =	ssyncadd.s32 $0xFFFFD8F0  }
0x5a: {  	[spmem:s26] =	stream.linear.scatter [tilespmem:s21], [sflag:$0x4], $0x2710, $0x38;
	[tilespmem:$0x11E28] =	vst v63  }
0x5b: {  	_ =	swait.ge [sflag:s2], $0x2710  }
0x5c: {  	s28 =	sld [smem:$0x7FA]  }
0x5d: {  	[sflag:s2] =	ssyncset.done $0x0  }
0x5e: {  	[sflag:s2] =	ssyncadd.s32 $0xFFFFD8F0  }
0x5f: {  	[spmem:s28] =	stream.linear.scatter [tilespmem:s21], [sflag:$0x4], $0x2710, $0x38;
	[tilespmem:$0x11E28] =	vst v63  }
0x60: {  	_ =	swait.ge [sflag:s2], $0x2710  }
0x61: {  	s29 =	sld [smem:$0x7FB]  }
0x62: {  	[sflag:s2] =	ssyncset.done $0x0  }
0x63: {  	[sflag:s2] =	ssyncadd.s32 $0xFFFFD8F0  }
0x64: {  	[spmem:s29] =	stream.linear.scatter [tilespmem:s21], [sflag:$0x4], $0x2710, $0x38;
	[tilespmem:$0x11E28] =	vst v63  }
0x65: {  	_ =	swait.ge [sflag:s2], $0x2710  }
0x66: {  	s30 =	sld [smem:$0x7FC]  }
0x67: {  	[sflag:s2] =	ssyncset.done $0x0  }
0x68: {  	[sflag:s2] =	ssyncadd.s32 $0xFFFFD8F0  }
0x69: {  	[spmem:s30] =	stream.linear.scatter [tilespmem:s21], [sflag:$0x4], $0x2710, $0x38;
	[tilespmem:$0x11E28] =	vst v63  }
0x6a: {  	_ =	swait.ge [sflag:s2], $0x2710  }
0x6b: {  	s31 =	sld [smem:$0x7FD]  }
0x6c: {  	[sflag:s2] =	ssyncset.done $0x0  }
0x6d: {  	[sflag:s2] =	ssyncadd.s32 $0xFFFFD8F0  }
0x6e: {  	[spmem:s31] =	stream.linear.scatter [tilespmem:s21], [sflag:$0x4], $0x2710, $0x38;
	[tilespmem:$0x11E28] =	vst v63  }
0x6f: {  	_ =	swait.ge [sflag:s2], $0x2710  }
0x70: {  	[sflag:s2] =	ssyncset.done $0x0  }
0x71: {  	[sflag:s2] =	ssyncadd.s32 $0xFFFFD8F0  }
.LBB2_5:
0x72: {  	[bflag:$0x0] =	sbarrier.arrive $0xFFFF;
	s1 =	simm.s32 $0x0  }
.LBB2_6:
0x73: {  	s12 =	sshll.u32 s1, $0x7;
	s0 =	rddreg [dreg:$0xf]  }
0x74: {  	[smem:$0x7F1] =	sst s1;
	s1 =	sadd.s32 s0, s12  }
0x75: {  	s13 =	rddreg [dreg:$0x11];
	s1 =	sshrl.u32 s1, $0x3  }
0x76: {  	s3 =	simm.s32 $0x0;
	s14 =	rddreg [dreg:$0x12];
	s2 =	sadd.s32 s13, s1  }
0x77: {  	[tilespmem:s3], [sflag:$0x1] =	stream.linear.gather [hbm4b:s2+s3], $0x80, $0x38;
	[tilespmem:$0x11E28] =	vst v63  }
0x78: {  	s16 =	rddreg [dreg:$0x1];
	s15 =	sadd.s32 s14, s1  }
0x79: {  	[tilespmem:s4], [sflag:$0x2] =	stream.linear.gather [hbm4b:s15+s3], $0x80, $0x38;
	[tilespmem:$0x11E28] =	vst v63  }
0x7a: {  	s17 =	simm.s32 $0x1;
	s1 =	sadd.s32 s16, s1  }
0x7b: {  	[tilespmem:s5], [sflag:$0x3] =	stream.linear.gather [hbm4b:s1+s3], $0x80, $0x38;
	[tilespmem:$0x11E28] =	vst v63  }
0x7c: {  	_ =	swait.ge [sflag:s17], $0x80  }
0x7d: {  	[sflag:s17] =	ssyncset.done $0x0  }
0x7e: {  	s18 =	simm.s32 $0x2;
	[sflag:s17] =	ssyncadd.s32 $0xFFFFFF80  }
0x7f: {  	_ =	swait.ge [sflag:s18], $0x80  }
0x80: {  	[sflag:s18] =	ssyncset.done $0x0  }
0x81: {  	s19 =	simm.s32 $0x3;
	[sflag:s18] =	ssyncadd.s32 $0xFFFFFF80  }
0x82: {  	_ =	swait.ge [sflag:s19], $0x80  }
0x83: {  	[sflag:s19] =	ssyncset.done $0x0  }
0x84: {  	s20 =	simm.s32 $0x0;
	[sflag:s19] =	ssyncadd.s32 $0xFFFFFF80  }
0x85: {  	v10 =	vld [tilespmem:s20+$0x80];
	_ =	sdelay $0x4  }
0x86: {  	(v2sf) =	vpush v10, $0x0  }
0x87: {  	(v2sf) =	vpush v10, $0x7;
	_ =	sdelay $0x2  }
0x88: {  	(v2sf) =	vpush v10, $0x1  }
0x89: {  	(v2sf) =	vpush v10, $0x2;
	_ =	sdelay $0x1  }
0x8a: {  	(v2sf) =	vpush v10, $0xB;
	_ =	sdelay $0x2  }
0x8b: {  	(v2sf) =	vpush v10, $0x3  }
0x8c: {  	(v2sf) =	vpush v10, $0x4;
	_ =	sdelay $0x1  }
0x8d: {  	(v2sf) =	vpush v10, $0xC  }
0x8e: {  	(v2sf) =	vpush v10, $0x8  }
0x8f: {  	s21 =	spop (v2sf)  }
0x90: {  	(v2sf) =	vpush v10, $0xD;
	s22 =	spop (v2sf);
	s23 =	smulhi.u32 $0x51EB851F, s21  }
0x91: {  	s1 =	sshra.s32 s21, $0x1F;
	s2 =	smulhi.u32 $0x51EB851F, s22  }
0x92: {  	s6 =	sshra.s32 s22, $0x1F;
	s1 =	smul.u32 $0x51EB851F, s1  }
0x93: {  	s24 =	spop (v2sf);
	s6 =	smul.u32 $0x51EB851F, s6  }
0x94: {  	(v2sf) =	vpush v10, $0xE;
	s8 =	spop (v2sf);
	s14 =	smulhi.u32 $0x51EB851F, s24  }
0x95: {  	s10 =	sshra.s32 s24, $0x1F;
	s15 =	sshra.s32 s8, $0x1F;
	s8 =	smulhi.u32 $0x51EB851F, s8  }
0x96: {  	s9 =	spop (v2sf);
	s10 =	smul.u32 $0x51EB851F, s10  }
0x97: {  	s7 =	simm.s32 $0x80;
	s4 =	simm.s32 $0x10;
	s12 =	smulhi.u32 $0x51EB851F, s9  }
0x98: {  	(v2sf) =	vpush v10, $0x9;
	s1 =	sadd.s32 s1, s23;
	s9 =	sshra.s32 s9, $0x1F;
	s28 =	smul.u32 $0x51EB851F, s15  }
0x99: {  	(v2sf) =	vpush v10, $0xA;
	s13 =	spop (v2sf);
	s5 =	sadd.s32 s6, s2;
	s9 =	smul.u32 $0x51EB851F, s9  }
0x9a: {  	(v2sf) =	vpush v10, $0xF;
	s16 =	spop (v2sf);
	s17 =	sshra.s32 s13, $0x1F;
	s11 =	smulhi.u32 $0x51EB851F, s13  }
0x9b: {  	s19 =	sshra.s32 s5, $0x1F;
	s18 =	sshra.s32 s16, $0x1F;
	s17 =	smul.u32 $0x51EB851F, s17  }
0x9c: {  	s0 =	sadd.s32 s10, s14;
	s25 =	spop (v2sf);
	s21 =	smul.u32 $0x51EB851F, s18  }
0x9d: {  	(v2sf) =	vpush v10, $0x5;
	s6 =	sadd.s32 s28, s8;
	s20 =	spop (v2sf);
	s2 =	smulhi.u32 $0x51EB851F, s25  }
0x9e: {  	s29 =	sshra.s32 s25, $0x1F;
	s26 =	sshra.s32 s20, $0x1F;
	s20 =	smulhi.u32 $0x51EB851F, s20  }
0x9f: {  	(v2sf) =	vpush v10, $0x6;
	s24 =	sshra.s32 s0, $0x6;
	s3 =	spop (v2sf);
	s29 =	smul.u32 $0x51EB851F, s29  }
0xa0: {  	s22 =	sadd.s32 s9, s12;
	s25 =	sshra.s32 s0, $0x1F;
	s8 =	smulhi.u32 $0x51EB851F, s3  }
0xa1: {  	s28 =	sshra.s32 s6, $0x1F;
	s15 =	sshra.s32 s6, $0x6;
	s12 =	smul.u32 $0x51EB851F, s26  }
0xa2: {  	s17 =	sadd.s32 s17, s11;
	s18 =	sshra.s32 s3, $0x1F;
	s3 =	smulhi.u32 $0x51EB851F, s16  }
0xa3: {  	s11 =	sshra.s32 s1, $0x6;
	s30 =	spop (v2sf);
	s26 =	sshrl.u32 s6, $0x1F  }
0xa4: {  	v11 =	vmov s19;
	s13 =	sadd.s32 s12, s20;
	s12 =	sadd.s32 s21, s3;
	s21 =	sshrl.u32 s1, $0x1F  }
0xa5: {  	v11 =	vsel vm8, s11, v11;
	s9 =	sshra.s32 s30, $0x1F;
	s2 =	sadd.s32 s29, s2;
	s1 =	sshra.s32 s1, $0x1F;
	v13 =	vmov s21  }
0xa6: {  	s10 =	smulhi.u32 $0x51EB851F, s30;
	v11 =	vsel vm9, s1, v11;
	s1 =	sshrl.u32 s0, $0x1F;
	s0 =	sshrl.u32 s13, $0x1F;
	v13 =	vnsel vm8, $0x0, v13  }
0xa7: {  	v12 =	vld [tilespmem:s4+$0x80];
	s21 =	sshra.s32 s17, $0x1F;
	s31 =	spop (v2sf);
	v13 =	vsel vm0, s1, v13;
	s1 =	sshra.s32 s2, $0x6  }
0xa8: {  	vm3 =	vcmask $0xF0C;
	v11 =	vsel vm0, s24, v11;
	s14 =	sshra.s32 s31, $0x1F;
	s23 =	spop (v2sf);
	s31 =	smulhi.u32 $0x51EB851F, s31  }
0xa9: {  	v11 =	vsel vm3, s25, v11;
	v17 =	vsel vm1, s26, v13;
	s26 =	simm.s32 $0x0;
	s6 =	sshra.s32 s23, $0x1F;
	s30 =	spop (v2sf)  }
0xaa: {  	vm4 =	vcmask $0x1714;
	vm13 =	vcmask $0x1F1C;
	v18 =	vld [tilespmem:$0x1FFF0];
	v11 =	vsel vm1, s15, v11;
	s29 =	smulhi.u32 $0x51EB851F, s23;
	s23 =	sshra.s32 s13, $0x6;
	s13 =	sshrl.u32 s17, $0x1F  }
0xab: {  	vm14 =	vcmask $0x2724;
	vm15 =	vcmask $0x2F2C;
	v11 =	vsel vm4, s28, v11;
	[dreg:$0x4] =	wrdreg s26;
	s28 =	simm.s32 $0x0;
	s3 =	smulhi.u32 $0x51EB851F, s30  }
0xac: {  	vm11 =	vcmask $0x3734;
	vm5 =	vcmask $0x2320;
	(v2sf) =	vpush v12, $0x0;
	s20 =	sshra.s32 s30, $0x1F;
	s24 =	smul.u32 $0x51EB851F, s6;
	s6 =	spop (v2sf)  }
0xad: {  	vm6 =	vcmask $0x2B28;
	vm7 =	vcmask $0x3330;
	(v2sf) =	vpush v12, $0x7;
	s30 =	sshra.s32 s17, $0x6;
	s11 =	smul.u32 $0x51EB851F, s20;
	s19 =	sshra.s32 s6, $0x1F  }
0xae: {  	vm12 =	vcmask $0x3B38;
	v16 =	vmov s0;
	(v2sf) =	vpush v12, $0x1;
	s20 =	sshra.s32 s12, $0x1F;
	s16 =	smulhi.u32 $0x51EB851F, s6;
	s25 =	spop (v2sf)  }
0xaf: {  	vm3 =	vnez.u8 v18;
	v13 =	vld [tilespmem:s4+$0x0];
	(v2sf) =	vpush v12, $0x2;
	v15 =	vsel vm2, s30, v11;
	s30 =	sshrl.u32 s2, $0x1F;
	s2 =	sadd.s32 s24, s29;
	s17 =	smulhi.u32 $0x51EB851F, s25  }
0xb0: {  	vm4 =	vmmov vm8;
	v14 =	vmov s23;
	v11 =	vld [tilespmem:s28+$0x0];
	(v2sf) =	vpush v12, $0xB;
	s24 =	smul.u32 $0x51EB851F, s14;
	s14 =	sshra.s32 s12, $0x6;
	s15 =	sadd.s32 s11, s3  }
.LBB2_7:
0xb1: {  	s0 =	sshrl.u32 s2, $0x1F  }
0xb2: {  	s11 =	smul.u32 $0x51EB851F, s19;
	s19 =	smov.u32 s7;
	s3 =	sadd.s32 $0x40, s7  }
0xb3: {  	s18 =	smul.u32 $0x51EB851F, s18;
	s28 =	sshra.s32 s25, $0x1F;
	s29 =	sshrl.u32 s22, $0x1F  }
0xb4: {  	s6 =	smul.u32 $0x51EB851F, s9;
	s12 =	sshrl.u32 s12, $0x1F;
	p2 =	sne.s32 s7, $0x1C0  }
0xb5: {  	(v2sf) =	vpush v12, $0x3;
	v17 =	vsel vm2, s13, v17;
	[dreg:$0x5] =	wrdreg s3;
	s23 =	sadd.s32 s24, s31;
	s13 =	smul.u32 $0x51EB851F, s28  }
0xb6: {  	(v2sf) =	vpush v12, $0x4;
	s24 =	sshrl.u32 s23, $0x1F;
	s3 =	sadd.s32 s18, s8;
	s9 =	sadd.s32 s11, s16  }
0xb7: {  	v15 =	vsel vm13, s21, v15;
	s8 =	sadd.s32 s6, s10;
	s28 =	sshra.s32 s23, $0x6;
	s6 =	sshra.s32 s2, $0x6  }
0xb8: {  	v18 =	vmov s1;
	v15 =	vsel vm5, s14, v15;
	(v2sf) =	vpush v12, $0xC;
	s10 =	sshra.s32 s22, $0x6;
	s14 =	sadd.s32 s13, s17;
	s18 =	sshra.s32 s3, $0x6  }
0xb9: {  	v19 =	vmov s30;
	v17 =	vsel vm5, s12, v17;
	v15 =	vsel vm14, s20, v15;
	s20 =	sshrl.u32 s9, $0x1F;
	s21 =	sshra.s32 s9, $0x6;
	s17 =	sshrl.u32 s15, $0x1F  }
0xba: {  	(v2sf) =	vpush v12, $0x8;
	v16 =	vsel vm0, s24, v16;
	s1 =	sshrl.u32 s3, $0x1F;
	v14 =	vsel vm0, s28, v14;
	s13 =	sshra.s32 s9, $0x1F;
	s16 =	sshra.s32 s14, $0x6  }
0xbb: {  	(v2sf) =	vpush v12, $0xD;
	v16 =	vsel vm1, s0, v16;
	s24 =	sshra.s32 s14, $0x1F;
	s26 =	sshrl.u32 s14, $0x1F;
	v14 =	vsel vm1, s6, v14;
	s6 =	spop (v2sf)  }
0xbc: {  	v18 =	vsel vm0, s18, v18;
	v19 =	vsel vm0, s1, v19;
	s14 =	sshrl.u32 s8, $0x1F;
	(v2sf) =	vpush v12, $0xE;
	s1 =	smulhi.u32 $0x51EB851F, s6;
	s18 =	spop (v2sf)  }
0xbd: {  	v17 =	vsel vm6, s20, v17;
	v16 =	vsel vm2, s29, v16;
	s29 =	sshra.s32 s8, $0x6;
	v14 =	vsel vm2, s10, v14;
	s10 =	sshra.s32 s6, $0x1F;
	s9 =	smulhi.u32 $0x51EB851F, s18  }
0xbe: {  	s3 =	sshra.s32 s15, $0x6;
	v15 =	vsel vm6, s21, v15;
	v19 =	vsel vm1, s14, v19;
	v18 =	vsel vm1, s29, v18;
	s21 =	sshra.s32 s18, $0x1F;
	s10 =	smul.u32 $0x51EB851F, s10  }
0xbf: {  	s15 =	sshra.s32 s5, $0x6;
	v15 =	vsel vm15, s13, v15;
	(v2sf) =	vpush v12, $0x9;
	v18 =	vsel vm2, s3, v18;
	s22 =	spop (v2sf);
	s2 =	smul.u32 $0x51EB851F, s21  }
0xc0: {  	s20 =	sshrl.u32 s5, $0x1F;
	v15 =	vsel vm7, s16, v15;
	v14 =	vcombine.low v14, v18;
	v18 =	vsel vm2, s17, v19;
	s29 =	spop (v2sf);
	s17 =	smulhi.u32 $0x51EB851F, s22  }
0xc1: {  	v17 =	vsel vm7, s26, v17;
	v15 =	vsel vm11, s24, v15;
	s6 =	rddreg [dreg:$0x4];
	s23 =	sshra.s32 s22, $0x1F;
	s26 =	smulhi.u32 $0x51EB851F, s29  }
0xc2: {  	v17 =	vsel vm12, s20, v17;
	v15 =	vsel vm12, s15, v15;
	v16 =	vcombine.low v16, v18;
	s3 =	sshra.s32 s29, $0x1F;
	s12 =	spop (v2sf);
	s29 =	smul.u32 $0x51EB851F, s23  }
0xc3: {  	v17 =	vperm.xlane v17, v3;
	v15 =	vperm.xlane v15, v3;
	s1 =	sadd.s32 s10, s1;
	s15 =	smulhi.u32 $0x51EB851F, s12;
	s16 =	sshra.s32 s12, $0x1F  }
0xc4: {  	v14 =	vperm.xlane v14, v2;
	v16 =	vperm.xlane v16, v2;
	s12 =	spop (v2sf);
	s5 =	sadd.s32 s2, s9;
	s0 =	smul.u32 $0x51EB851F, s3  }
0xc5: {  	(v2sf) =	vpush v12, $0xA;
	s10 =	sshra.s32 s1, $0x6;
	s18 =	sshra.s32 s12, $0x1F;
	s7 =	spop (v2sf)  }
0xc6: {  	v14 =	vsel vm3, v15, v14;
	v16 =	vsel vm3, v17, v16;
	s24 =	smul.u32 $0x51EB851F, s16;
	s20 =	sshra.s32 s5, $0x1F;
	s13 =	sadd.s32 s29, s17  }
0xc7: {  	(v2sf) =	vpush v12, $0xF;
	v14 =	vadd.s32 v16, v14;
	s12 =	smulhi.u32 $0x51EB851F, s12;
	s25 =	sshra.s32 s7, $0x1F;
	s28 =	spop (v2sf)  }
0xc8: {  	v14 =	vmul.u32 $0xC8, v14;
	s0 =	sadd.s32 s0, s26;
	s26 =	sshra.s32 s13, $0x1F;
	s22 =	sadd.s32 s24, s15  }
0xc9: {  	s21 =	spop (v2sf);
	(v2sf) =	vpush v12, $0x5;
	s2 =	smul.u32 $0x51EB851F, s25;
	s15 =	sshra.s32 s28, $0x1F  }
0xca: {  	v15 =	vmul.u32 $0xC8, v11;
	v11 =	vmovc v13;
	v13 =	vsub.s32 v10, v14;
	v10 =	vmov v12;
	s24 =	smul.u32 $0x51EB851F, s18;
	s25 =	sshra.s32 s13, $0x6;
	s3 =	spop (v2sf)  }
0xcb: {  	s17 =	smulhi.u32 $0x51EB851F, s28;
	s16 =	sshrl.u32 s0, $0x1F;
	s28 =	spop (v2sf);
	(v2sf) =	vpush v10, $0x6  }
0xcc: {  	v12 =	vadd.s32 v15, v13;
	s11 =	sshra.s32 s0, $0x1F;
	s23 =	sshra.s32 s21, $0x1F;
	s21 =	smulhi.u32 $0x51EB851F, s21  }
0xcd: {  	s0 =	sshra.s32 s0, $0x6;
	s13 =	sshrl.u32 s13, $0x1F;
	v13 =	vsub.s32 v12, v0;
	v12 =	vand.u32 $0x7FF, v12;
	s8 =	smulhi.u32 $0x51EB851F, s3  }
0xce: {  	vm10 =	vmmov vm9;
	s18 =	sshra.s32 s3, $0x1F;
	vm9 =	vlt.u32 v13, $0xF4240;
	v12 =	vadd.s32 $0xF4240, v12;
	s23 =	smul.u32 $0x51EB851F, s23;
	s29 =	spop (v2sf)  }
0xcf: {  	s24 =	sadd.s32 s24, s12;
	s9 =	sshra.s32 s28, $0x1F;
	v12 =	vsel vm9, v13, v12;
	s14 =	sshra.s32 s29, $0x1F  }
0xd0: {  	[tilespmem:s6+$0x100] =	vst v12;
	s6 =	smov.u32 s4;
	v12 =	vmov s20;
	s4 =	sshrl.u32 s1, $0x1F;
	s31 =	smulhi.u32 $0x51EB851F, s29  }
0xd1: {  	s1 =	sshra.s32 s1, $0x1F;
	v14 =	vmov s4;
	v12 =	vsel vm4, s10, v12;
	s4 =	sshra.s32 s19, $0x2;
	s19 =	smulhi.u32 $0x51EB851F, s7  }
0xd2: {  	s23 =	sadd.s32 s23, s21;
	s21 =	sshra.s32 s24, $0x1F;
	s10 =	smulhi.u32 $0x51EB851F, s28;
	v13 =	vsel vm10, s1, v12  }
0xd3: {  	vm8 =	vcmask $0xF0C;
	[dreg:$0x4] =	wrdreg s6;
	s28 =	smul.u32 $0x51EB851F, s15;
	v12 =	vld [tilespmem:s4+$0x80];
	v14 =	vnsel vm4, $0x0, v14;
	v15 =	vsel vm0, s25, v13;
	s25 =	sshra.s32 s24, $0x6  }
0xd4: {  	v14 =	vsel vm0, s13, v14;
	s13 =	sshrl.u32 s24, $0x1F;
	s24 =	smul.u32 $0x51EB851F, s14;
	s30 =	spop (v2sf);
	v15 =	vsel vm8, s26, v15  }
0xd5: {  	s29 =	sshra.s32 s23, $0x6;
	s3 =	sshra.s32 s30, $0x1F;
	v15 =	vsel vm1, s0, v15;
	s0 =	smulhi.u32 $0x51EB851F, s30  }
0xd6: {  	s17 =	sadd.s32 s28, s17;
	s3 =	smul.u32 $0x51EB851F, s3;
	s20 =	spop (v2sf)  }
0xd7: {  	s12 =	sadd.s32 s2, s19;
	s1 =	sshra.s32 s17, $0x6;
	s28 =	smulhi.u32 $0x51EB851F, s20  }
.Ltmp4:
0xd8: {  	vm8 =	vcmask $0x1714;
	v17 =	vsel vm1, s16, v14;
	s6 =	sshra.s32 s20, $0x1F;
	s26 =	spop (v2sf);
	(v2sf) =	vpush v12, $0x0;
	(pc) =	sbr.rel @p2 .LBB2_7-.Ltmp4, $4  }
0xd9: {  	v14 =	vmov s29;
	s29 =	sshrl.u32 s23, $0x1F;
	s14 =	sshra.s32 s12, $0x6;
	v15 =	vsel vm8, s11, v15;
	s7 =	smul.u32 $0x51EB851F, s6;
	(v2sf) =	vpush v12, $0x7  }
0xda: {  	s30 =	sshrl.u32 s17, $0x1F;
	v15 =	vsel vm2, s25, v15;
	s20 =	sshra.s32 s12, $0x1F;
	s25 =	spop (v2sf);
	(v2sf) =	vpush v12, $0x1  }
0xdb: {  	s2 =	sadd.s32 s3, s0;
	s15 =	sadd.s32 s7, s28;
	s16 =	smulhi.u32 $0x51EB851F, s26;
	(v2sf) =	vpush v12, $0x2  }
0xdc: {  	vm9 =	vmmov vm10;
	v13 =	vld [tilespmem:s4+$0x0];
	v16 =	vmov s29;
	s7 =	rddreg [dreg:$0x5];
	s19 =	sshra.s32 s26, $0x1F;
	s17 =	smulhi.u32 $0x51EB851F, s25;
	(v2sf) =	vpush v12, $0xB  }
0xdd: {  	_ =	sdelay $0x4  }
0xde: {  	(v2sf) =	vpush v12, $0x3;
	_ =	sdelay $0x1  }
0xdf: {  	s0 =	smul.u32 $0x51EB851F, s19;
	(v2sf) =	vpush v12, $0x4  }
0xe0: {  	s19 =	smul.u32 $0x51EB851F, s18;
	s6 =	sshra.s32 s25, $0x1F  }
0xe1: {  	s23 =	smul.u32 $0x51EB851F, s6;
	[smem:$0x7D9] =	sst s0  }
0xe2: {  	[smem:$0x7D8] =	sst s19;
	s7 =	spop (v2sf)  }
0xe3: {  	[smem:$0x7DA] =	sst s23;
	s11 =	spop (v2sf)  }
0xe4: {  	s18 =	spop (v2sf);
	s25 =	sshra.s32 s11, $0x1F;
	s26 =	smulhi.u32 $0x51EB851F, s11  }
0xe5: {  	(v2sf) =	vpush v12, $0xC;
	s23 =	spop (v2sf);
	s28 =	smul.u32 $0x51EB851F, s25  }
0xe6: {  	(v2sf) =	vpush v12, $0x8;
	s6 =	smulhi.u32 $0x51EB851F, s18;
	s18 =	sshra.s32 s18, $0x1F;
	[smem:$0x7DB] =	sst s26  }
0xe7: {  	s29 =	spop (v2sf);
	s19 =	smul.u32 $0x51EB851F, s18  }
0xe8: {  	[smem:$0x7DC] =	sst s28;
	s3 =	smulhi.u32 $0x51EB851F, s29  }
0xe9: {  	[smem:$0x7DF] =	sst s6;
	s28 =	smulhi.u32 $0x51EB851F, s23  }
0xea: {  	(v2sf) =	vpush v12, $0xD;
	s25 =	sshra.s32 s29, $0x1F;
	s6 =	smulhi.u32 $0x51EB851F, s7;
	[smem:$0x7E0] =	sst s19  }
0xeb: {  	s24 =	sadd.s32 s24, s31;
	(v2sf) =	vpush v12, $0xE;
	s11 =	smul.u32 $0x51EB851F, s25;
	s31 =	sld [smem:$0x7DC]  }
0xec: {  	(v2sf) =	vpush v12, $0x9;
	s23 =	sshra.s32 s23, $0x1F;
	s25 =	spop (v2sf);
	[smem:$0x7DD] =	sst s3  }
0xed: {  	(v2sf) =	vpush v12, $0xA;
	s29 =	smul.u32 $0x51EB851F, s23;
	[smem:$0x7E1] =	sst s28  }
0xee: {  	s7 =	sshra.s32 s7, $0x1F;
	s3 =	spop (v2sf);
	[smem:$0x7E3] =	sst s6  }
0xef: {  	s28 =	smul.u32 $0x51EB851F, s7;
	[smem:$0x7DE] =	sst s11  }
0xf0: {  	s7 =	smulhi.u32 $0x51EB851F, s25;
	[smem:$0x7E2] =	sst s29  }
0xf1: {  	(v2sf) =	vpush v12, $0xF;
	s26 =	sshra.s32 s3, $0x1F;
	[smem:$0x7E4] =	sst s28  }
0xf2: {  	s11 =	sshra.s32 s25, $0x1F;
	s0 =	smul.u32 $0x51EB851F, s26;
	[smem:$0x7E7] =	sst s7  }
0xf3: {  	s18 =	smul.u32 $0x51EB851F, s11;
	s28 =	sld [smem:$0x7D9]  }
0xf4: {  	[smem:$0x7E8] =	sst s0;
	s0 =	spop (v2sf)  }
0xf5: {  	s7 =	sld [smem:$0x7DA];
	s19 =	spop (v2sf)  }
0xf6: {  	s9 =	smul.u32 $0x51EB851F, s9;
	[smem:$0x7E6] =	sst s18;
	s26 =	sshra.s32 s19, $0x1F  }
0xf7: {  	v15 =	vsel vm13, s21, v15;
	s21 =	sshrl.u32 s22, $0x1F;
	s18 =	sld [smem:$0x7D8];
	s29 =	smul.u32 $0x51EB851F, s26  }
0xf8: {  	s25 =	smulhi.u32 $0x51EB851F, s3;
	s16 =	sadd.s32 s28, s16;
	s28 =	sld [smem:$0x7DB]  }
0xf9: {  	s22 =	sshra.s32 s22, $0x6;
	s11 =	spop (v2sf);
	[smem:$0x7E5] =	sst s29  }
0xfa: {  	s23 =	sshra.s32 s0, $0x1F;
	s29 =	smulhi.u32 $0x51EB851F, s19;
	s19 =	spop (v2sf)  }
0xfb: {  	s17 =	sadd.s32 s7, s17;
	s26 =	smulhi.u32 $0x51EB851F, s0;
	s3 =	spop (v2sf)  }
0xfc: {  	v15 =	vsel vm5, s14, v15;
	s14 =	sshra.s32 s16, $0x6;
	[smem:$0x7E9] =	sst s11;
	s6 =	spop (v2sf)  }
0xfd: {  	s11 =	sadd.s32 s18, s8;
	[smem:$0x7EB] =	sst s19;
	s8 =	sshra.s32 s6, $0x1F  }
0xfe: {  	s18 =	smulhi.u32 $0x51EB851F, s6;
	s6 =	sadd.s32 s31, s28;
	s28 =	sld [smem:$0x7DF]  }
0xff: {  	v17 =	vsel vm2, s13, v17;
	s13 =	sshra.s32 s16, $0x1F;
	s19 =	smul.u32 $0x51EB851F, s23;
	s31 =	sld [smem:$0x7E0]  }
0x100: {  	s23 =	sadd.s32 s9, s10;
	s9 =	sld [smem:$0x7DE];
	s0 =	spop (v2sf)  }
0x101: {  	s19 =	sadd.s32 s19, s26;
	s10 =	smul.u32 $0x51EB851F, s8;
	s8 =	sld [smem:$0x7DD]  }
0x102: {  	s26 =	sshra.s32 s17, $0x1F;
	[smem:$0x7EA] =	sst s6;
	s31 =	sadd.s32 s31, s28  }
0x103: {  	s28 =	sld [smem:$0x7E2];
	s10 =	sadd.s32 s10, s18;
	s18 =	sshrl.u32 s17, $0x1F  }
0x104: {  	s6 =	sadd.s32 s9, s8;
	s9 =	smulhi.u32 $0x51EB851F, s0;
	s8 =	sld [smem:$0x7E1]  }
0x105: {  	s0 =	sshra.s32 s0, $0x1F;
	[smem:$0x7EF] =	sst s6;
	s6 =	smulhi.u32 $0x51EB851F, s3  }
0x106: {  	v19 =	vmov s30;
	[smem:$0x7ED] =	sst s10;
	s30 =	sshra.s32 s31, $0x1F;
	s0 =	smul.u32 $0x51EB851F, s0  }
0x107: {  	v15 =	vsel vm14, s20, v15;
	s3 =	sshra.s32 s3, $0x1F;
	s7 =	sadd.s32 s28, s8;
	s8 =	sld [smem:$0x7E3]  }
0x108: {  	v15 =	vsel vm6, s14, v15;
	s3 =	smul.u32 $0x51EB851F, s3;
	s28 =	sld [smem:$0x7E4];
	s0 =	sadd.s32 s0, s9  }
0x109: {  	(v2sf) =	vpush v12, $0x5;
	v15 =	vsel vm15, s13, v15;
	s13 =	sshrl.u32 s31, $0x1F;
	s9 =	sshrl.u32 s11, $0x1F;
	[smem:$0x7F0] =	sst s0  }
0x10a: {  	s10 =	sadd.s32 s3, s6;
	s3 =	sshrl.u32 s12, $0x1F;
	s6 =	sshra.s32 s11, $0x6  }
0x10b: {  	(v2sf) =	vpush v12, $0x6;
	s11 =	sshra.s32 s17, $0x6;
	s17 =	sshrl.u32 s24, $0x1F;
	[smem:$0x7EE] =	sst s10  }
0x10c: {  	v18 =	vmov s1;
	s24 =	sshra.s32 s24, $0x6;
	s8 =	sadd.s32 s28, s8;
	s28 =	sld [smem:$0x7E5]  }
0x10d: {  	s12 =	sshrl.u32 s15, $0x1F;
	s15 =	sshra.s32 s15, $0x6;
	v18 =	vsel vm0, s6, v18;
	s6 =	sld [smem:$0x7E9]  }
0x10e: {  	s0 =	sshrl.u32 s2, $0x1F;
	s1 =	sshra.s32 s7, $0x1F;
	v14 =	vsel vm0, s24, v14;
	s24 =	sld [smem:$0x7EB]  }
0x10f: {  	s10 =	sshra.s32 s2, $0x6;
	s29 =	sadd.s32 s28, s29;
	s28 =	sld [smem:$0x7E7]  }
0x110: {  	s2 =	sshrl.u32 s16, $0x1F;
	v16 =	vsel vm0, s17, v16;
	s16 =	sshrl.u32 s23, $0x1F;
	[smem:$0x7EC] =	sst s29  }
0x111: {  	s17 =	sshra.s32 s5, $0x6;
	s5 =	sshrl.u32 s5, $0x1F;
	v17 =	vsel vm5, s3, v17;
	v16 =	vsel vm1, s0, v16;
	s29 =	sld [smem:$0x7E6]  }
0x112: {  	v17 =	vsel vm6, s2, v17;
	s2 =	sshra.s32 s7, $0x6;
	v16 =	vsel vm2, s21, v16;
	s20 =	sshra.s32 s8, $0x6;
	s21 =	sld [smem:$0x7EA]  }
0x113: {  	s0 =	sshra.s32 s6, $0x1F;
	s3 =	smulhi.u32 $0x51EB851F, s6;
	s6 =	sshrl.u32 s7, $0x1F  }
0x114: {  	v19 =	vsel vm0, s9, v19;
	s0 =	smul.u32 $0x51EB851F, s0;
	s28 =	sadd.s32 s29, s28;
	s29 =	sld [smem:$0x7E8]  }
0x115: {  	v15 =	vsel vm7, s11, v15;
	v19 =	vsel vm1, s16, v19;
	s7 =	sshrl.u32 s8, $0x1F;
	s8 =	sshra.s32 s8, $0x1F;
	s16 =	sld [smem:$0x7EC]  }
0x116: {  	vm8 =	vcmask $0xF0C;
	v14 =	vsel vm1, s10, v14;
	v15 =	vsel vm11, s26, v15;
	s10 =	sshra.s32 s24, $0x1F;
	s14 =	smulhi.u32 $0x51EB851F, s24;
	s0 =	sadd.s32 s0, s3  }
0x117: {  	v14 =	vsel vm2, s22, v14;
	v19 =	vsel vm2, s12, v19;
	v17 =	vsel vm7, s18, v17;
	s25 =	sadd.s32 s29, s25;
	s29 =	sshra.s32 s23, $0x6;
	s23 =	sshra.s32 s21, $0x1F  }
0x118: {  	v15 =	vsel vm12, s17, v15;
	s11 =	sshrl.u32 s16, $0x1F;
	v18 =	vsel vm1, s29, v18;
	v20 =	vmov s23;
	s29 =	sshra.s32 s31, $0x6;
	s31 =	spop (v2sf)  }
0x119: {  	v21 =	vmov s7;
	s24 =	sshra.s32 s28, $0x1F;
	v23 =	vmov s11;
	s11 =	sld [smem:$0x7EF];
	v20 =	vsel vm4, s20, v20;
	s22 =	smulhi.u32 $0x51EB851F, s31  }
0x11a: {  	v17 =	vsel vm12, s5, v17;
	v21 =	vnsel vm4, $0x0, v21;
	s26 =	spop (v2sf);
	v20 =	vsel vm9, s8, v20;
	s8 =	sshra.s32 s16, $0x6;
	s16 =	sshra.s32 s31, $0x1F  }
0x11b: {  	v16 =	vcombine.low v16, v19;
	v15 =	vperm.xlane v15, v3;
	v21 =	vsel vm0, s13, v21;
	s23 =	sshra.s32 s28, $0x6;
	s9 =	sshra.s32 s26, $0x1F;
	s13 =	smul.u32 $0x51EB851F, s16  }
0x11c: {  	v17 =	vperm.xlane v17, v3;
	v21 =	vsel vm1, s6, v21;
	s7 =	sshra.s32 s25, $0x1F;
	s28 =	sshrl.u32 s28, $0x1F;
	v20 =	vsel vm0, s29, v20;
	s16 =	smul.u32 $0x51EB851F, s9  }
0x11d: {  	v18 =	vsel vm2, s15, v18;
	s15 =	sshra.s32 s25, $0x6;
	v21 =	vsel vm2, s28, v21;
	s28 =	sshrl.u32 s25, $0x1F;
	v20 =	vsel vm8, s30, v20;
	s30 =	smulhi.u32 $0x51EB851F, s26  }
0x11e: {  	v16 =	vperm.xlane v16, v2;
	s29 =	sshra.s32 s19, $0x6;
	vm8 =	vcmask $0x1714;
	v20 =	vsel vm1, s2, v20;
	s2 =	sadd.s32 s13, s22;
	s22 =	smul.u32 $0x51EB851F, s10  }
0x11f: {  	s31 =	sshrl.u32 s19, $0x1F;
	v14 =	vcombine.low v14, v18;
	s19 =	sld [smem:$0x7ED];
	v24 =	vmov s29;
	s29 =	sshra.s32 s0, $0x6;
	v20 =	vsel vm8, s1, v20  }
0x120: {  	v21 =	vsel vm5, s28, v21;
	v22 =	vmov s8;
	s0 =	sshrl.u32 s0, $0x1F;
	v20 =	vsel vm2, s23, v20;
	s23 =	sadd.s32 s16, s30;
	s30 =	sadd.s32 s22, s14  }
0x121: {  	v25 =	vmov s31;
	v14 =	vperm.xlane v14, v2;
	s31 =	sshrl.u32 s2, $0x1F;
	v20 =	vsel vm13, s24, v20;
	s24 =	sld [smem:$0x7EE];
	s13 =	sshra.s32 s30, $0x6  }
0x122: {  	v24 =	vsel vm0, s29, v24;
	v25 =	vsel vm0, s0, v25;
	v21 =	vsel vm6, s31, v21;
	s18 =	sshra.s32 s23, $0x6;
	s22 =	sshra.s32 s23, $0x1F;
	s23 =	sshrl.u32 s23, $0x1F  }
0x123: {  	s25 =	sshrl.u32 s21, $0x1F;
	s17 =	sshrl.u32 s30, $0x1F;
	v20 =	vsel vm5, s15, v20;
	v24 =	vsel vm1, s13, v24;
	s15 =	sld [smem:$0x7F0];
	v21 =	vsel vm7, s23, v21  }
0x124: {  	s8 =	sshra.s32 s2, $0x6;
	v25 =	vsel vm1, s17, v25;
	v20 =	vsel vm14, s7, v20;
	v21 =	vsel vm12, s25, v21;
	s26 =	sshrl.u32 s24, $0x1F;
	s10 =	sshra.s32 s24, $0x6  }
0x125: {  	s20 =	sshrl.u32 s19, $0x1F;
	s2 =	sshra.s32 s2, $0x1F;
	s14 =	sshra.s32 s19, $0x6;
	v20 =	vsel vm6, s8, v20;
	v23 =	vsel vm0, s26, v23;
	v22 =	vsel vm0, s10, v22  }
0x126: {  	s16 =	sshra.s32 s15, $0x6;
	v20 =	vsel vm15, s2, v20;
	s19 =	sshrl.u32 s15, $0x1F;
	v23 =	vsel vm1, s20, v23;
	v22 =	vsel vm1, s14, v22  }
0x127: {  	s12 =	sshrl.u32 s11, $0x1F;
	v24 =	vsel vm2, s16, v24;
	s20 =	sshra.s32 s11, $0x6;
	v25 =	vsel vm2, s19, v25;
	v20 =	vsel vm7, s18, v20  }
0x128: {  	s24 =	sshra.s32 s21, $0x6;
	v23 =	vsel vm2, s12, v23;
	v22 =	vsel vm2, s20, v22;
	v20 =	vsel vm11, s22, v20  }
0x129: {  	v54 =	vcombine.low v22, v24;
	v55 =	vcombine.low v23, v25;
	v20 =	vsel vm12, s24, v20  }
0x12a: {  	v16 =	vsel vm3, v17, v16;
	v58 =	vperm.xlane v21, v3;
	v59 =	vperm.xlane v20, v3  }
0x12b: {  	v14 =	vsel vm3, v15, v14;
	v56 =	vperm.xlane v54, v2;
	v57 =	vperm.xlane v55, v2  }
0x12c: {  	v14 =	vadd.s32 v16, v14  }
0x12d: {  	v14 =	vmul.u32 $0xC8, v14;
	v15 =	vsel vm3, v58, v57;
	v60 =	vsel vm3, v59, v56  }
0x12e: {  	v11 =	vmul.u32 $0xC8, v11;
	v15 =	vadd.s32 v15, v60  }
0x12f: {  	v10 =	vsub.s32 v10, v14;
	v61 =	vmul.u32 $0xC8, v15  }
0x130: {  	v10 =	vadd.s32 v11, v10;
	v11 =	vmul.u32 $0xC8, v13  }
0x131: {  	v62 =	vsub.s32 v10, v0;
	v63 =	vsub.s32 v12, v61  }
0x132: {  	v10 =	vand.u32 $0x7FF, v10;
	vm9 =	vlt.u32 v62, $0xF4240;
	v11 =	vadd.s32 v11, v63  }
0x133: {  	v10 =	vadd.s32 $0xF4240, v10;
	v12 =	vsub.s32 v11, v0;
	v11 =	vand.u32 $0x7FF, v11  }
0x134: {  	s26 =	rddreg [dreg:$0x4];
	v10 =	vsel vm9, v62, v10;
	vm9 =	vlt.u32 v12, $0xF4240;
	v11 =	vadd.s32 $0xF4240, v11  }
0x135: {  	s5 =	simm.s32 $0x180;
	s28 =	rddreg [dreg:$0x2];
	[tilespmem:s26+$0x100] =	vst v10;
	v10 =	vsel vm9, v12, v11  }
0x136: {  	s29 =	simm.s32 $0x100;
	s30 =	simm.s32 $0x4;
	[tilespmem:s4+$0x100] =	vst v10;
	s4 =	simm.s32 $0x80  }
0x137: {  	[spmem:s28] =	stream.indirect.scatter.add.f32 [tilespmem:s5], [sflag:$0x4], $0x1, s29, s4, $0xb8;
	[tilespmem:$0x11E28] =	vst v63  }
0x138: {  	_ =	swait.ge [sflag:s30], $0x80  }
0x139: {  	s31 =	sld [smem:$0x7F1];
	_ =	sdelay $0x2  }
0x13a: {  	s1 =	sadd.s32 $0x1, s31  }
0x13b: {  	p2 =	sne.s32 s1, $0x9C  }
.Ltmp5:
0x13c: {  	_ = 	snop;
	(pc) =	sbr.rel @p2 .LBB2_6-.Ltmp5, $3  }
0x13d: {  	_ =	sdelay $0x1  }
0x13e: {  	[sflag:s30] =	ssyncset.done $0x0  }
0x13f: {  	vm8 =	vmmov vm4;
	vm9 =	vmmov vm10;
	[sflag:s30] =	ssyncadd.s32 $0xFFFFFF80  }
0x140: {  	s0 =	simm.s32 $0x0;
	s1 =	rddreg [dreg:$0x14];
	s2 =	simm.s32 $0x4  }
0x141: {  	[tilespmem:s0], [sflag:$0x4] =	stream.linear.gather [hbm4b:s1+s0], $0x20, $0x38;
	[tilespmem:$0x11E28] =	vst v63  }
0x142: {  	_ =	swait.ge [sflag:s2], $0x20  }
0x143: {  	[sflag:s2] =	ssyncset.done $0x0  }
0x144: {  	s15 =	rddreg [dreg:$0x15];
	[sflag:s2] =	ssyncadd.s32 $0xFFFFFFE0  }
0x145: {  	[tilespmem:s4], [sflag:$0x4] =	stream.linear.gather [hbm4b:s15+s0], $0x20, $0x38;
	[tilespmem:$0x11E28] =	vst v63  }
0x146: {  	_ =	swait.ge [sflag:s2], $0x20  }
0x147: {  	[sflag:s2] =	ssyncset.done $0x0  }
0x148: {  	s16 =	rddreg [dreg:$0x16];
	[sflag:s2] =	ssyncadd.s32 $0xFFFFFFE0  }
0x149: {  	[tilespmem:s5], [sflag:$0x4] =	stream.linear.gather [hbm4b:s16+s0], $0x20, $0x38;
	[tilespmem:$0x11E28] =	vst v63  }
0x14a: {  	_ =	swait.ge [sflag:s2], $0x20  }
0x14b: {  	[sflag:s2] =	ssyncset.done $0x0  }
0x14c: {  	[sflag:s2] =	ssyncadd.s32 $0xFFFFFFE0  }
0x14d: {  	v10 =	vld [tilespmem:$0x80];
	_ =	sdelay $0x4  }
0x14e: {  	(v2sf) =	vpush v10, $0xD;
	_ =	sdelay $0x1  }
0x14f: {  	(v2sf) =	vpush v10, $0xC;
	_ =	sdelay $0x1  }
0x150: {  	(v2sf) =	vpush v10, $0xE;
	_ =	sdelay $0x1  }
0x151: {  	(v2sf) =	vpush v10, $0xF;
	_ =	sdelay $0x1  }
0x152: {  	(v2sf) =	vpush v10, $0x9;
	_ =	sdelay $0x1  }
0x153: {  	(v2sf) =	vpush v10, $0x8;
	_ =	sdelay $0x1  }
0x154: {  	(v2sf) =	vpush v10, $0xA;
	_ =	sdelay $0x1  }
0x155: {  	(v2sf) =	vpush v10, $0xB  }
0x156: {  	s17 =	spop (v2sf)  }
0x157: {  	(v2sf) =	vpush v10, $0x0;
	s4 =	smulhi.u32 $0x51EB851F, s17;
	s1 =	sshra.s32 s17, $0x1F  }
0x158: {  	s3 =	spop (v2sf);
	s31 =	smul.u32 $0x51EB851F, s1  }
0x159: {  	(v2sf) =	vpush v10, $0x1;
	s1 =	smulhi.u32 $0x51EB851F, s3;
	s3 =	sshra.s32 s3, $0x1F  }
0x15a: {  	s18 =	spop (v2sf);
	s15 =	smul.u32 $0x51EB851F, s3  }
0x15b: {  	(v2sf) =	vpush v10, $0x2;
	s3 =	smulhi.u32 $0x51EB851F, s18;
	s5 =	sshra.s32 s18, $0x1F  }
0x15c: {  	s7 =	spop (v2sf);
	(v2sf) =	vpush v10, $0x3;
	s18 =	smul.u32 $0x51EB851F, s5  }
0x15d: {  	s5 =	smulhi.u32 $0x51EB851F, s7;
	s7 =	sshra.s32 s7, $0x1F  }
0x15e: {  	s9 =	spop (v2sf);
	(v2sf) =	vpush v10, $0x4;
	s24 =	smul.u32 $0x51EB851F, s7  }
0x15f: {  	s6 =	smulhi.u32 $0x51EB851F, s9;
	s9 =	sshra.s32 s9, $0x1F  }
0x160: {  	s11 =	spop (v2sf);
	(v2sf) =	vpush v10, $0x5;
	s25 =	smul.u32 $0x51EB851F, s9  }
0x161: {  	s7 =	smulhi.u32 $0x51EB851F, s11;
	s11 =	sshra.s32 s11, $0x1F  }
0x162: {  	s13 =	spop (v2sf);
	(v2sf) =	vpush v10, $0x6;
	s11 =	smul.u32 $0x51EB851F, s11  }
0x163: {  	v11 =	vld [tilespmem:$0x90];
	s8 =	smulhi.u32 $0x51EB851F, s13;
	s13 =	sshra.s32 s13, $0x1F  }
0x164: {  	s14 =	spop (v2sf);
	(v2sf) =	vpush v10, $0x7;
	s0 =	smul.u32 $0x51EB851F, s13  }
0x165: {  	s9 =	smulhi.u32 $0x51EB851F, s14;
	s14 =	sshra.s32 s14, $0x1F  }
0x166: {  	s13 =	smul.u32 $0x51EB851F, s14;
	s19 =	spop (v2sf)  }
0x167: {  	s10 =	smulhi.u32 $0x51EB851F, s19;
	s14 =	sshra.s32 s19, $0x1F  }
0x168: {  	(v2sf) =	vpush v11, $0xD;
	s21 =	spop (v2sf);
	s20 =	smul.u32 $0x51EB851F, s14  }
0x169: {  	s26 =	smulhi.u32 $0x51EB851F, s21;
	s14 =	sshra.s32 s21, $0x1F  }
0x16a: {  	(v2sf) =	vpush v11, $0xC;
	s22 =	spop (v2sf);
	s30 =	smul.u32 $0x51EB851F, s14  }
0x16b: {  	(v2sf) =	vpush v11, $0xE;
	s23 =	smulhi.u32 $0x51EB851F, s22;
	s14 =	sshra.s32 s22, $0x1F;
	s28 =	spop (v2sf)  }
0x16c: {  	[smem:$0x7C4] =	sst s20;
	s22 =	smul.u32 $0x51EB851F, s14  }
0x16d: {  	(v2sf) =	vpush v11, $0xF;
	s29 =	smulhi.u32 $0x51EB851F, s28;
	s14 =	sshra.s32 s28, $0x1F;
	s12 =	spop (v2sf)  }
0x16e: {  	[smem:$0x7C5] =	sst s23;
	s21 =	smul.u32 $0x51EB851F, s14  }
0x16f: {  	(v2sf) =	vpush v11, $0x9;
	s16 =	smulhi.u32 $0x51EB851F, s12;
	s14 =	sshra.s32 s12, $0x1F;
	s17 =	spop (v2sf)  }
0x170: {  	[smem:$0x7C6] =	sst s29;
	s20 =	smul.u32 $0x51EB851F, s14  }
0x171: {  	s19 =	smulhi.u32 $0x51EB851F, s17;
	s14 =	sshra.s32 s17, $0x1F;
	s23 =	spop (v2sf)  }
0x172: {  	s31 =	sadd.s32 s31, s4;
	[smem:$0x7C7] =	sst s16;
	s17 =	smul.u32 $0x51EB851F, s14  }
0x173: {  	(v2sf) =	vpush v11, $0x8;
	s28 =	smulhi.u32 $0x51EB851F, s23;
	s14 =	sshra.s32 s23, $0x1F;
	s29 =	spop (v2sf)  }
0x174: {  	s30 =	sadd.s32 s30, s26;
	(v2sf) =	vpush v11, $0xA;
	s26 =	sld [smem:$0x7C6];
	s12 =	smul.u32 $0x51EB851F, s14  }
0x175: {  	[smem:$0x7C8] =	sst s19;
	s16 =	smulhi.u32 $0x51EB851F, s29;
	s14 =	sshra.s32 s29, $0x1F  }
0x176: {  	s18 =	sadd.s32 s18, s3;
	[smem:$0x7C9] =	sst s28;
	s2 =	smul.u32 $0x51EB851F, s14  }
0x177: {  	(v2sf) =	vpush v11, $0xB;
	[smem:$0x7CA] =	sst s16;
	s21 =	sadd.s32 s21, s26;
	s19 =	spop (v2sf)  }
0x178: {  	s26 =	sld [smem:$0x7C9];
	s16 =	smulhi.u32 $0x51EB851F, s19;
	s14 =	sshra.s32 s19, $0x1F  }
0x179: {  	s24 =	sadd.s32 s24, s5;
	s28 =	spop (v2sf);
	s23 =	smul.u32 $0x51EB851F, s14  }
0x17a: {  	s25 =	sadd.s32 s25, s6;
	s29 =	smulhi.u32 $0x51EB851F, s28;
	s3 =	spop (v2sf)  }
0x17b: {  	s14 =	sshra.s32 s28, $0x1F;
	s4 =	smulhi.u32 $0x51EB851F, s3;
	[smem:$0x7CC] =	sst s23  }
0x17c: {  	s6 =	spop (v2sf);
	s23 =	sadd.s32 s15, s1;
	[smem:$0x7CD] =	sst s29  }
0x17d: {  	s29 =	smul.u32 $0x51EB851F, s14;
	s14 =	sshra.s32 s3, $0x1F;
	s15 =	sadd.s32 s11, s7  }
0x17e: {  	s28 =	smulhi.u32 $0x51EB851F, s6;
	s11 =	sadd.s32 s0, s8;
	s8 =	spop (v2sf)  }
0x17f: {  	s13 =	sadd.s32 s13, s9;
	s1 =	sld [smem:$0x7C4];
	s5 =	smul.u32 $0x51EB851F, s14  }
0x180: {  	[smem:$0x7CB] =	sst s16;
	s14 =	sshra.s32 s6, $0x1F;
	s16 =	smulhi.u32 $0x51EB851F, s8  }
0x181: {  	(v2sf) =	vpush v11, $0x0;
	[smem:$0x7CE] =	sst s4;
	s9 =	sshra.s32 s8, $0x1F;
	s19 =	smul.u32 $0x51EB851F, s14  }
0x182: {  	s4 =	spop (v2sf);
	s14 =	sadd.s32 s1, s10;
	s10 =	smul.u32 $0x51EB851F, s9  }
0x183: {  	s0 =	sshra.s32 s4, $0x1F;
	s6 =	spop (v2sf);
	s9 =	smulhi.u32 $0x51EB851F, s4  }
0x184: {  	[smem:$0x7CF] =	sst s5;
	s8 =	smul.u32 $0x51EB851F, s0  }
0x185: {  	s12 =	sadd.s32 s12, s26;
	s5 =	sld [smem:$0x7C5];
	s7 =	smulhi.u32 $0x51EB851F, s6  }
0x186: {  	(v2sf) =	vpush v11, $0x1;
	s0 =	sshra.s32 s6, $0x1F;
	s1 =	sld [smem:$0x7C7];
	s4 =	spop (v2sf)  }
0x187: {  	s6 =	smul.u32 $0x51EB851F, s0;
	s0 =	sshra.s32 s4, $0x1F;
	s28 =	sadd.s32 s19, s28  }
0x188: {  	s19 =	sshrl.u32 s15, $0x1F;
	s22 =	sadd.s32 s22, s5;
	s5 =	sld [smem:$0x7C8]  }
0x189: {  	s10 =	sadd.s32 s10, s16;
	s20 =	sadd.s32 s20, s1;
	s1 =	sld [smem:$0x7CA]  }
0x18a: {  	s15 =	sshra.s32 s15, $0x6;
	s8 =	sadd.s32 s8, s9;
	[smem:$0x7D4] =	sst s10  }
0x18b: {  	s9 =	sshrl.u32 s24, $0x1F;
	s16 =	sshra.s32 s24, $0x6;
	[smem:$0x7D5] =	sst s8  }
0x18c: {  	s24 =	sshra.s32 s11, $0x6;
	s26 =	sadd.s32 s2, s1;
	s1 =	sld [smem:$0x7CB]  }
0x18d: {  	s17 =	sadd.s32 s17, s5;
	s5 =	smulhi.u32 $0x51EB851F, s4;
	[smem:$0x7D0] =	sst s26  }
0x18e: {  	s6 =	sadd.s32 s6, s7;
	s4 =	smul.u32 $0x51EB851F, s0;
	s26 =	sld [smem:$0x7CC]  }
0x18f: {  	s8 =	sshra.s32 s31, $0x6;
	s10 =	sshrl.u32 s25, $0x1F;
	s25 =	sshra.s32 s25, $0x6  }
0x190: {  	[smem:$0x7D6] =	sst s6;
	s0 =	spop (v2sf);
	s4 =	sadd.s32 s4, s5  }
0x191: {  	s5 =	sshrl.u32 s30, $0x1F;
	s2 =	sadd.s32 s26, s1;
	s26 =	sld [smem:$0x7CD]  }
0x192: {  	s3 =	smulhi.u32 $0x51EB851F, s0;
	s0 =	sshra.s32 s0, $0x1F;
	[smem:$0x7D7] =	sst s4  }
0x193: {  	(v2sf) =	vpush v11, $0x2;
	s4 =	sshrl.u32 s31, $0x1F;
	[smem:$0x7D1] =	sst s2;
	s2 =	smul.u32 $0x51EB851F, s0  }
0x194: {  	v15 =	vmov s19;
	s31 =	sshra.s32 s23, $0x6;
	s1 =	sadd.s32 s29, s26;
	s29 =	sld [smem:$0x7CE]  }
0x195: {  	v17 =	vmov s15;
	v15 =	vsel vm0, s10, v15;
	s0 =	spop (v2sf);
	(v2sf) =	vpush v11, $0x3;
	s26 =	sld [smem:$0x7CF];
	s6 =	sadd.s32 s2, s3  }
0x196: {  	v17 =	vsel vm0, s25, v17;
	v16 =	vmov s31;
	(v2sf) =	vpush v11, $0x4;
	s2 =	sshrl.u32 s23, $0x1F;
	s3 =	sshrl.u32 s18, $0x1F;
	s18 =	sshra.s32 s18, $0x6  }
0x197: {  	v17 =	vsel vm1, s24, v17;
	v16 =	vsel vm0, s8, v16;
	(v2sf) =	vpush v11, $0x5;
	s23 =	sshrl.u32 s11, $0x1F;
	s11 =	sshra.s32 s13, $0x6;
	[smem:$0x7D2] =	sst s1  }
0x198: {  	s1 =	smulhi.u32 $0x51EB851F, s0;
	s0 =	sshra.s32 s0, $0x1F;
	(v2sf) =	vpush v11, $0x6;
	v12 =	vmov s2;
	v16 =	vsel vm1, s18, v16;
	s18 =	sld [smem:$0x7D1]  }
0x199: {  	s2 =	sshra.s32 s30, $0x1F;
	v15 =	vsel vm1, s23, v15;
	s23 =	sshrl.u32 s12, $0x1F;
	v17 =	vsel vm2, s11, v17;
	s11 =	sld [smem:$0x7D6];
	(v2sf) =	vpush v11, $0x7  }
0x19a: {  	s0 =	smul.u32 $0x51EB851F, s0;
	v12 =	vsel vm0, s4, v12;
	s29 =	sadd.s32 s26, s29;
	s26 =	sld [smem:$0x7D0]  }
0x19b: {  	s4 =	sshra.s32 s22, $0x1F;
	v12 =	vsel vm1, s3, v12;
	s3 =	sshra.s32 s21, $0x6;
	[smem:$0x7D3] =	sst s29  }
0x19c: {  	s7 =	sadd.s32 s0, s1;
	s29 =	sshrl.u32 s13, $0x1F;
	s13 =	sshrl.u32 s14, $0x1F  }
0x19d: {  	vm3 =	vcmask $0xF0C;
	s1 =	sshra.s32 s14, $0x6;
	s14 =	sshra.s32 s14, $0x1F;
	v14 =	vmov s13;
	s0 =	sshra.s32 s26, $0x1F  }
0x19e: {  	v12 =	vsel vm2, s9, v12;
	s9 =	sshra.s32 s20, $0x6;
	s31 =	sshrl.u32 s18, $0x1F;
	s25 =	sshrl.u32 s11, $0x1F;
	v14 =	vnsel vm8, $0x0, v14;
	v13 =	vmov s0  }
0x19f: {  	vm11 =	vcmask $0x1714;
	s13 =	sshra.s32 s20, $0x1F;
	s0 =	sshra.s32 s30, $0x6;
	s30 =	sshrl.u32 s22, $0x1F;
	v14 =	vsel vm0, s5, v14;
	v13 =	vsel vm8, s1, v13  }
0x1a0: {  	v15 =	vsel vm2, s29, v15;
	s29 =	sshrl.u32 s26, $0x1F;
	s1 =	sshra.s32 s22, $0x6;
	s22 =	sshrl.u32 s21, $0x1F;
	v14 =	vsel vm1, s30, v14;
	v13 =	vsel vm9, s14, v13  }
0x1a1: {  	vm5 =	vcmask $0x2320;
	s14 =	sshra.s32 s21, $0x1F;
	s21 =	sshrl.u32 s20, $0x1F;
	s20 =	sshrl.u32 s17, $0x1F;
	v14 =	vsel vm2, s22, v14;
	v13 =	vsel vm0, s0, v13  }
0x1a2: {  	vm4 =	vcmask $0x2B28;
	s19 =	spop (v2sf);
	v14 =	vsel vm5, s21, v14;
	s21 =	sld [smem:$0x7D4];
	v13 =	vsel vm3, s2, v13;
	s2 =	sshra.s32 s17, $0x6  }
0x1a3: {  	vm7 =	vcmask $0x3330;
	s17 =	sshra.s32 s17, $0x1F;
	s0 =	sshra.s32 s19, $0x1F;
	v14 =	vsel vm4, s20, v14;
	s20 =	sld [smem:$0x7D2];
	v13 =	vsel vm1, s1, v13  }
0x1a4: {  	vm12 =	vcmask $0x3B38;
	s1 =	smulhi.u32 $0x51EB851F, s19;
	s19 =	sshra.s32 s12, $0x6;
	v14 =	vsel vm7, s23, v14;
	s10 =	spop (v2sf);
	v13 =	vsel vm11, s4, v13  }
0x1a5: {  	vm13 =	vcmask $0x1F1C;
	s22 =	smul.u32 $0x51EB851F, s0;
	v14 =	vsel vm12, s29, v14;
	s29 =	sshrl.u32 s28, $0x1F;
	s4 =	spop (v2sf);
	v13 =	vsel vm2, s3, v13  }
0x1a6: {  	v16 =	vsel vm2, s16, v16;
	s16 =	sshrl.u32 s21, $0x1F;
	s3 =	sshra.s32 s12, $0x1F;
	s0 =	spop (v2sf);
	v13 =	vsel vm13, s14, v13  }
0x1a7: {  	vm14 =	vcmask $0x2724;
	s5 =	sshra.s32 s10, $0x1F;
	s14 =	smulhi.u32 $0x51EB851F, s10;
	s12 =	spop (v2sf);
	v13 =	vsel vm5, s9, v13  }
0x1a8: {  	s23 =	sshrl.u32 s20, $0x1F;
	s5 =	smul.u32 $0x51EB851F, s5;
	s30 =	spop (v2sf);
	v13 =	vsel vm14, s13, v13  }
0x1a9: {  	vm15 =	vcmask $0x2F2C;
	v16 =	vcombine.low v17, v16;
	s1 =	sadd.s32 s22, s1;
	s10 =	smulhi.u32 $0x51EB851F, s30;
	s9 =	sshra.s32 s30, $0x1F;
	v13 =	vsel vm4, s2, v13  }
0x1aa: {  	v12 =	vcombine.low v15, v12;
	v18 =	vmov s23;
	s23 =	sshrl.u32 s6, $0x1F;
	s2 =	smul.u32 $0x51EB851F, s9;
	v13 =	vsel vm15, s17, v13;
	s17 =	sld [smem:$0x7D3]  }
0x1ab: {  	v19 =	vmov s23;
	s23 =	sld [smem:$0x7D7];
	s13 =	sshra.s32 s26, $0x6;
	s15 =	smulhi.u32 $0x51EB851F, s12  }
0x1ac: {  	vm6 =	vcmask $0xF0C;
	v52 =	vperm.xlane v16, v2;
	v12 =	vperm.xlane v12, v2;
	s5 =	sadd.s32 s5, s14;
	s30 =	smulhi.u32 $0x51EB851F, s4;
	s10 =	sadd.s32 s2, s10  }
0x1ad: {  	vm3 =	vcmask $0x3734;
	v14 =	vperm.xlane v14, v3;
	v18 =	vsel vm0, s31, v18;
	s4 =	sshra.s32 s4, $0x1F;
	s26 =	sshrl.u32 s17, $0x1F;
	s24 =	sshra.s32 s10, $0x1F  }
0x1ae: {  	s22 =	smul.u32 $0x51EB851F, s4;
	v13 =	vsel vm7, s19, v13;
	s19 =	sld [smem:$0x7D5];
	v18 =	vsel vm1, s26, v18;
	v48 =	vmov s24;
	s26 =	sshra.s32 s6, $0x6  }
0x1af: {  	v19 =	vnsel vm8, $0x0, v19;
	s14 =	sshrl.u32 s5, $0x1F;
	s9 =	sshra.s32 s20, $0x6;
	v13 =	vsel vm3, s3, v13;
	s6 =	sshra.s32 s6, $0x1F;
	v15 =	vsel vm8, s26, v48  }
0x1b0: {  	v51 =	vld [tilespmem:$0x1FFF0];
	v54 =	vmov s9;
	s3 =	sadd.s32 s22, s30;
	s30 =	sshrl.u32 s1, $0x1F;
	v13 =	vsel vm12, s13, v13;
	s13 =	sshra.s32 s7, $0x6;
	v15 =	vsel vm9, s6, v15  }
0x1b1: {  	s31 =	sshrl.u32 s19, $0x1F;
	v13 =	vperm.xlane v13, v3;
	v18 =	vsel vm2, s29, v18;
	s29 =	sshrl.u32 s7, $0x1F;
	s7 =	sshra.s32 s7, $0x1F;
	v15 =	vsel vm0, s13, v15  }
0x1b2: {  	s22 =	sshra.s32 s1, $0x6;
	s1 =	sshra.s32 s1, $0x1F;
	v20 =	vmov s31;
	s31 =	smulhi.u32 $0x51EB851F, s0;
	v19 =	vsel vm0, s29, v19;
	v15 =	vsel vm6, s7, v15  }
0x1b3: {  	s0 =	sshra.s32 s0, $0x1F;
	v20 =	vsel vm0, s16, v20;
	s16 =	sshra.s32 s12, $0x1F;
	s12 =	sshra.s32 s19, $0x6;
	v49 =	vsel vm1, s30, v19;
	v15 =	vsel vm1, s22, v15  }
0x1b4: {  	s8 =	sshra.s32 s5, $0x1F;
	s0 =	smul.u32 $0x51EB851F, s0;
	s29 =	sshra.s32 s5, $0x6;
	v50 =	vsel vm1, s25, v20;
	v55 =	vmov s12;
	v15 =	vsel vm11, s1, v15  }
0x1b5: {  	s24 =	sshrl.u32 s23, $0x1F;
	s26 =	sshrl.u32 s3, $0x1F;
	s25 =	smul.u32 $0x51EB851F, s16;
	v17 =	vsel vm2, s14, v49;
	vm6 =	vnez.u8 v51;
	v15 =	vsel vm2, s29, v15  }
0x1b6: {  	s13 =	sshra.s32 s3, $0x6;
	s16 =	sshra.s32 s3, $0x1F;
	s0 =	sadd.s32 s0, s31;
	v53 =	vsel vm2, s24, v50;
	v12 =	vsel vm6, v14, v12;
	v15 =	vsel vm13, s8, v15  }
0x1b7: {  	s14 =	sshra.s32 s18, $0x6;
	s18 =	sshra.s32 s17, $0x6;
	v17 =	vsel vm5, s26, v17;
	s30 =	sshrl.u32 s0, $0x1F;
	v16 =	vcombine.low v53, v18;
	v15 =	vsel vm5, s13, v15  }
0x1b8: {  	s31 =	sadd.s32 s25, s15;
	s15 =	sshra.s32 s21, $0x6;
	v18 =	vsel vm0, s14, v54;
	s20 =	sshra.s32 s0, $0x6;
	v17 =	vsel vm4, s30, v17;
	v15 =	vsel vm14, s16, v15  }
0x1b9: {  	s19 =	sshra.s32 s11, $0x6;
	s21 =	sshra.s32 s28, $0x6;
	s0 =	sshra.s32 s0, $0x1F;
	v19 =	vsel vm0, s15, v55;
	v18 =	vsel vm1, s18, v18;
	v15 =	vsel vm4, s20, v15  }
0x1ba: {  	s22 =	sshra.s32 s23, $0x6;
	s23 =	sshrl.u32 s31, $0x1F;
	s24 =	sshra.s32 s31, $0x6;
	v19 =	vsel vm1, s19, v19;
	v18 =	vsel vm2, s21, v18;
	v15 =	vsel vm15, s0, v15  }
0x1bb: {  	s25 =	sshrl.u32 s10, $0x1F;
	s26 =	sshra.s32 s31, $0x1F;
	v17 =	vsel vm7, s23, v17;
	v19 =	vsel vm2, s22, v19;
	v15 =	vsel vm7, s24, v15  }
0x1bc: {  	v56 =	vld [tilespmem:$0x0];
	s28 =	sshra.s32 s10, $0x6;
	v17 =	vsel vm12, s25, v17;
	v18 =	vcombine.low v19, v18;
	v15 =	vsel vm3, s26, v15  }
0x1bd: {  	v16 =	vperm.xlane v16, v2;
	v17 =	vperm.xlane v17, v3;
	v15 =	vsel vm12, s28, v15  }
0x1be: {  	v57 =	vld [tilespmem:$0x10];
	v13 =	vsel vm6, v13, v52;
	v18 =	vperm.xlane v18, v2;
	v15 =	vperm.xlane v15, v3  }
0x1bf: {  	v12 =	vadd.s32 v12, v13  }
0x1c0: {  	v12 =	vmul.u32 $0xC8, v12;
	v58 =	vsel vm6, v17, v16;
	v15 =	vsel vm6, v15, v18  }
0x1c1: {  	v59 =	vmul.u32 $0xC8, v56;
	v13 =	vadd.s32 v58, v15  }
0x1c2: {  	[tilespmem:$0x120] =	vst v4;
	v10 =	vsub.s32 v10, v12;
	v60 =	vmul.u32 $0xC8, v13  }
0x1c3: {  	[tilespmem:$0x130] =	vst v5;
	v61 =	vmul.u32 $0xC8, v57;
	v10 =	vadd.s32 v59, v10  }
0x1c4: {  	[tilespmem:$0x140] =	vst v6;
	v62 =	vsub.s32 v10, v0;
	v11 =	vsub.s32 v11, v60  }
0x1c5: {  	[tilespmem:$0x150] =	vst v7;
	v10 =	vand.u32 $0x7FF, v10;
	vm9 =	vlt.u32 v62, $0xF4240;
	v11 =	vadd.s32 v61, v11  }
0x1c6: {  	[tilespmem:$0x160] =	vst v8;
	v10 =	vadd.s32 $0xF4240, v10;
	v63 =	vsub.s32 v11, v0;
	v11 =	vand.u32 $0x7FF, v11  }
0x1c7: {  	[tilespmem:$0x170] =	vst v9;
	v10 =	vsel vm9, v62, v10;
	vm9 =	vlt.u32 v63, $0xF4240;
	v11 =	vadd.s32 $0xF4240, v11  }
0x1c8: {  	s4 =	simm.s32 $0x80;
	s5 =	simm.s32 $0x180;
	[tilespmem:$0x100] =	vst v10;
	v11 =	vsel vm9, v63, v11  }
0x1c9: {  	s30 =	simm.s32 $0x100;
	s31 =	simm.s32 $0x4;
	s29 =	rddreg [dreg:$0x2];
	[tilespmem:$0x110] =	vst v11  }
0x1ca: {  	[spmem:s29] =	stream.indirect.scatter.add.f32 [tilespmem:s5], [sflag:$0x4], $0x1, s30, s4, $0xb8;
	[tilespmem:$0x11E28] =	vst v63  }
0x1cb: {  	_ =	swait.ge [sflag:s31], $0x80  }
0x1cc: {  	[sflag:s31] =	ssyncset.done $0x0  }
.Ltmp6:
0x1cd: {  	[sflag:s31] =	ssyncadd.s32 $0xFFFFFF80;
	(pc) =	sbr.rel @p1 .LBB2_11-.Ltmp6, $2  }
0x1ce: {  	[bflag:$0x0] =	sbarrier.arrive $0xFFFF  }
0x1cf: {  	s6 =	sld [smem:$0x7F2];
	_ =	sdelay $0x2  }
0x1d0: {  	s0 =	rddreg [dreg:$0x18];
	s2 =	simm.s32 $0x200;
	s3 =	simm.s32 $0x4  }
0x1d1: {  	[tilespmem:s2], [sflag:$0x4] =	stream.linear.gather [spmem:s0], $0x2710, $0x38;
	[tilespmem:$0x11E28] =	vst v63  }
0x1d2: {  	_ =	swait.ge [sflag:s3], $0x2710  }
0x1d3: {  	[sflag:s3] =	ssyncset.done $0x0  }
0x1d4: {  	s12 =	simm.s32 $0x0;
	s1 =	rddreg [dreg:$0x6];
	[sflag:s3] =	ssyncadd.s32 $0xFFFFD8F0  }
0x1d5: {  	[hbm4b:s1+s12] =	stream.linear.scatter [tilespmem:s2], [sflag:$0x4], $0x2710, $0x38;
	[tilespmem:$0x11E28] =	vst v63  }
0x1d6: {  	_ =	swait.ge [sflag:s3], $0x2710  }
0x1d7: {  	[sflag:s3] =	ssyncset.done $0x0  }
0x1d8: {  	s13 =	rddreg [dreg:$0x19];
	[sflag:s3] =	ssyncadd.s32 $0xFFFFD8F0  }
0x1d9: {  	[tilespmem:s2], [sflag:$0x4] =	stream.linear.gather [spmem:s13], $0x2710, $0x38;
	[tilespmem:$0x11E28] =	vst v63  }
0x1da: {  	_ =	swait.ge [sflag:s3], $0x2710  }
0x1db: {  	[sflag:s3] =	ssyncset.done $0x0  }
0x1dc: {  	s14 =	rddreg [dreg:$0x7];
	[sflag:s3] =	ssyncadd.s32 $0xFFFFD8F0  }
0x1dd: {  	[hbm4b:s14+s12] =	stream.linear.scatter [tilespmem:s2], [sflag:$0x4], $0x2710, $0x38;
	[tilespmem:$0x11E28] =	vst v63  }
0x1de: {  	_ =	swait.ge [sflag:s3], $0x2710  }
0x1df: {  	[sflag:s3] =	ssyncset.done $0x0  }
0x1e0: {  	s15 =	rddreg [dreg:$0x1a];
	[sflag:s3] =	ssyncadd.s32 $0xFFFFD8F0  }
0x1e1: {  	[tilespmem:s2], [sflag:$0x4] =	stream.linear.gather [spmem:s15], $0x2710, $0x38;
	[tilespmem:$0x11E28] =	vst v63  }
0x1e2: {  	_ =	swait.ge [sflag:s3], $0x2710  }
0x1e3: {  	[sflag:s3] =	ssyncset.done $0x0  }
0x1e4: {  	s16 =	rddreg [dreg:$0x8];
	[sflag:s3] =	ssyncadd.s32 $0xFFFFD8F0  }
0x1e5: {  	[hbm4b:s16+s12] =	stream.linear.scatter [tilespmem:s2], [sflag:$0x4], $0x2710, $0x38;
	[tilespmem:$0x11E28] =	vst v63  }
0x1e6: {  	_ =	swait.ge [sflag:s3], $0x2710  }
0x1e7: {  	[sflag:s3] =	ssyncset.done $0x0  }
0x1e8: {  	s17 =	rddreg [dreg:$0x1b];
	[sflag:s3] =	ssyncadd.s32 $0xFFFFD8F0  }
0x1e9: {  	[tilespmem:s2], [sflag:$0x4] =	stream.linear.gather [spmem:s17], $0x2710, $0x38;
	[tilespmem:$0x11E28] =	vst v63  }
0x1ea: {  	_ =	swait.ge [sflag:s3], $0x2710  }
0x1eb: {  	[sflag:s3] =	ssyncset.done $0x0  }
0x1ec: {  	s18 =	rddreg [dreg:$0x9];
	[sflag:s3] =	ssyncadd.s32 $0xFFFFD8F0  }
0x1ed: {  	[hbm4b:s18+s12] =	stream.linear.scatter [tilespmem:s2], [sflag:$0x4], $0x2710, $0x38;
	[tilespmem:$0x11E28] =	vst v63  }
0x1ee: {  	_ =	swait.ge [sflag:s3], $0x2710  }
0x1ef: {  	[sflag:s3] =	ssyncset.done $0x0  }
0x1f0: {  	s19 =	rddreg [dreg:$0x1c];
	[sflag:s3] =	ssyncadd.s32 $0xFFFFD8F0  }
0x1f1: {  	[tilespmem:s2], [sflag:$0x4] =	stream.linear.gather [spmem:s19], $0x2710, $0x38;
	[tilespmem:$0x11E28] =	vst v63  }
0x1f2: {  	_ =	swait.ge [sflag:s3], $0x2710  }
0x1f3: {  	[sflag:s3] =	ssyncset.done $0x0  }
0x1f4: {  	s20 =	rddreg [dreg:$0xa];
	[sflag:s3] =	ssyncadd.s32 $0xFFFFD8F0  }
0x1f5: {  	[hbm4b:s20+s12] =	stream.linear.scatter [tilespmem:s2], [sflag:$0x4], $0x2710, $0x38;
	[tilespmem:$0x11E28] =	vst v63  }
0x1f6: {  	_ =	swait.ge [sflag:s3], $0x2710  }
0x1f7: {  	[sflag:s3] =	ssyncset.done $0x0  }
0x1f8: {  	s21 =	rddreg [dreg:$0x1d];
	[sflag:s3] =	ssyncadd.s32 $0xFFFFD8F0  }
0x1f9: {  	[tilespmem:s2], [sflag:$0x4] =	stream.linear.gather [spmem:s21], $0x2710, $0x38;
	[tilespmem:$0x11E28] =	vst v63  }
0x1fa: {  	_ =	swait.ge [sflag:s3], $0x2710  }
0x1fb: {  	[sflag:s3] =	ssyncset.done $0x0  }
0x1fc: {  	s22 =	rddreg [dreg:$0xb];
	[sflag:s3] =	ssyncadd.s32 $0xFFFFD8F0  }
0x1fd: {  	[hbm4b:s22+s12] =	stream.linear.scatter [tilespmem:s2], [sflag:$0x4], $0x2710, $0x38;
	[tilespmem:$0x11E28] =	vst v63  }
0x1fe: {  	_ =	swait.ge [sflag:s3], $0x2710  }
0x1ff: {  	[sflag:s3] =	ssyncset.done $0x0  }
0x200: {  	s23 =	rddreg [dreg:$0x1e];
	[sflag:s3] =	ssyncadd.s32 $0xFFFFD8F0  }
0x201: {  	[tilespmem:s2], [sflag:$0x4] =	stream.linear.gather [spmem:s23], $0x2710, $0x38;
	[tilespmem:$0x11E28] =	vst v63  }
0x202: {  	_ =	swait.ge [sflag:s3], $0x2710  }
0x203: {  	[sflag:s3] =	ssyncset.done $0x0  }
0x204: {  	s24 =	rddreg [dreg:$0xc];
	[sflag:s3] =	ssyncadd.s32 $0xFFFFD8F0  }
0x205: {  	[hbm4b:s24+s12] =	stream.linear.scatter [tilespmem:s2], [sflag:$0x4], $0x2710, $0x38;
	[tilespmem:$0x11E28] =	vst v63  }
0x206: {  	_ =	swait.ge [sflag:s3], $0x2710  }
0x207: {  	[sflag:s3] =	ssyncset.done $0x0  }
0x208: {  	s25 =	rddreg [dreg:$0x1f];
	[sflag:s3] =	ssyncadd.s32 $0xFFFFD8F0  }
0x209: {  	[tilespmem:s2], [sflag:$0x4] =	stream.linear.gather [spmem:s25], $0x2710, $0x38;
	[tilespmem:$0x11E28] =	vst v63  }
0x20a: {  	_ =	swait.ge [sflag:s3], $0x2710  }
0x20b: {  	[sflag:s3] =	ssyncset.done $0x0  }
0x20c: {  	s26 =	rddreg [dreg:$0xd];
	[sflag:s3] =	ssyncadd.s32 $0xFFFFD8F0  }
0x20d: {  	[hbm4b:s26+s12] =	stream.linear.scatter [tilespmem:s2], [sflag:$0x4], $0x2710, $0x38;
	[tilespmem:$0x11E28] =	vst v63  }
0x20e: {  	_ =	swait.ge [sflag:s3], $0x2710  }
0x20f: {  	s28 =	sld [smem:$0x7F3]  }
0x210: {  	[sflag:s3] =	ssyncset.done $0x0  }
0x211: {  	[sflag:s3] =	ssyncadd.s32 $0xFFFFD8F0  }
0x212: {  	[tilespmem:s2], [sflag:$0x4] =	stream.linear.gather [spmem:s28], $0x2710, $0x38;
	[tilespmem:$0x11E28] =	vst v63  }
0x213: {  	_ =	swait.ge [sflag:s3], $0x2710  }
0x214: {  	[sflag:s3] =	ssyncset.done $0x0  }
0x215: {  	s29 =	rddreg [dreg:$0xe];
	[sflag:s3] =	ssyncadd.s32 $0xFFFFD8F0  }
0x216: {  	[hbm4b:s29+s12] =	stream.linear.scatter [tilespmem:s2], [sflag:$0x4], $0x2710, $0x38;
	[tilespmem:$0x11E28] =	vst v63  }
0x217: {  	_ =	swait.ge [sflag:s3], $0x2710  }
0x218: {  	s30 =	sld [smem:$0x7F4]  }
0x219: {  	[sflag:s3] =	ssyncset.done $0x0  }
0x21a: {  	[sflag:s3] =	ssyncadd.s32 $0xFFFFD8F0  }
0x21b: {  	[tilespmem:s2], [sflag:$0x4] =	stream.linear.gather [spmem:s30], $0x2710, $0x38;
	[tilespmem:$0x11E28] =	vst v63  }
0x21c: {  	_ =	swait.ge [sflag:s3], $0x2710  }
0x21d: {  	[sflag:s3] =	ssyncset.done $0x0  }
.Ltmp7:
0x21e: {  	s31 =	rddreg [dreg:$0x10];
	[sflag:s3] =	ssyncadd.s32 $0xFFFFD8F0;
	(pc) =	sbr.rel .LBB2_11-.Ltmp7, $4  }
0x21f: {  	[hbm4b:s31+s12] =	stream.linear.scatter [tilespmem:s2], [sflag:$0x4], $0x2710, $0x38;
	[tilespmem:$0x11E28] =	vst v63  }
0x220: {  	_ =	swait.ge [sflag:s3], $0x2710  }
0x221: {  	[sflag:s3] =	ssyncset.done $0x0  }
0x222: {  	[sflag:s3] =	ssyncadd.s32 $0xFFFFD8F0  }
.LBB2_12:
0x223: {  	_ =	sfence.sel $0x180000  }
0x224: {  	[bflag:$0x0] =	sbarrier.arrive $0xFFFF  }
0x225: {  	_ =	strace $0x90000047  }
0x226: {  	s0 =	stileid.u32;
	[bflag:$0x2] =	sbarrier.arrive $0xFFFF  }
0x227: {  	p0 =	sne.s32 s0, $0x0;
	s0 =	rddreg [dreg:$0x3]  }
0x228: {  	s0 =	sadd.s32 @!p0 $0x100000, s0  }
0x229: {  	[sflag:s0] =	ssyncadd.tile.s32 @!p0 $0x1;
	_ =	shalt  }
.Lfunc_end2:
_tile_overlayer_lowered:
.L_overlay_start_2:
0x22a: {  	(tag) =	ssettag $0x2  }
0x22b: {  	s0 =	rddreg [dreg:$0x0];
	s2 =	stileid.u32  }
0x22c: {  	s1 =	rddreg [dreg:$0x1];
	p0 =	sne.s32 s2, $0x0  }
0x22d: {  	s3 =	rddreg [dreg:$0x2];
	[bflag:$0x3] =	sbarrier.arrive $0xFFFF;
	s2 =	simm.s32 @!p0 $0x1C04  }
0x22e: {  	[timem:s3], [sflag:s2] =	dma.local @!p0 [hbm:s0], s1  }
0x22f: {  	s0 =	simm.s32 @!p0 $0x4  }
0x230: {  	_ =	swait.ge @!p0 [sflag:s0], s1  }
0x231: {  	s1 =	ssub.s32 @!p0 $0x0, s1;
	[sflag:s0] =	ssyncset.done @!p0 $0x0  }
0x232: {  	[sflag:s0] =	ssyncadd.s32 @!p0 s1  }
0x233: {  	[bflag:$0x3] =	sbarrier.arrive $0xFFFF  }
0x234: {  	_ =	shalt  }

</sc_bundles>
